<compile_context>
chip_gen: v7x
topology: tpu7x:2x2x1
jax: 0.10.2.dev20260603
libtpu: 0.0.44.dev20260713+nightly
codegen_flags: <defaults>
</compile_context>

<pallas_src>
import functools

import jax
import jax.numpy as jnp
from jax import lax
from jax.experimental import pallas as pl
from jax.experimental.pallas import tpu as pltpu
from jax.experimental.pallas import tpu_sc as plsc

_K = 31
_NEG = -3.0e38
_POS = 3.0e38
_NPAD = 10240


def _emb_kernel(f_ref, w0_ref, w1_ref, o_ref):
    h = jnp.maximum(f_ref[...] * w0_ref[...], 0.0) * w1_ref[...]
    n = jnp.sqrt(jnp.sum(h * h, axis=1, keepdims=True))
    o_ref[...] = h / jnp.maximum(n, 1e-12)


def _swap(a, b):
    return jnp.maximum(a, b), jnp.minimum(a, b)


def _sorted4(a0, a1, b0, b1):
    c0, t = _swap(a0, b0)
    u, c3 = _swap(a1, b1)
    c1, c2 = _swap(t, u)
    return [c0, c1, c2, c3]


def _quads(xs):
    hi, lo = [], []
    for i in range(8):
        h, l = _swap(xs[2 * i], xs[2 * i + 1])
        hi.append(h)
        lo.append(l)
    return [_sorted4(hi[2 * q], lo[2 * q], hi[2 * q + 1], lo[2 * q + 1])
            for q in range(4)]


def _merge44_top4(a, b):
    d = [jnp.maximum(a[i], b[3 - i]) for i in range(4)]
    e0, e2 = _swap(d[0], d[2])
    e1, e3 = _swap(d[1], d[3])
    f0, f1 = _swap(e0, e1)
    f2, f3 = _swap(e2, e3)
    return [f0, f1, f2, f3]


def _top4_of16(xs):
    q = _quads(xs)
    s01 = _merge44_top4(q[0], q[1])
    s23 = _merge44_top4(q[2], q[3])
    return [jnp.maximum(s01[i], s23[3 - i]) for i in range(4)]


def _bitonic8_desc(v):
    v = list(v)
    for dist in (4, 2, 1):
        nv = list(v)
        for i in range(8):
            j = i + dist
            if j < 8 and (i // dist) % 2 == 0:
                nv[i], nv[j] = _swap(v[i], v[j])
        v = nv
    return v


def _merge44_sorted8(a, b):
    return _bitonic8_desc(a + b[::-1])


def _merge88_top8(a, b):
    d = [jnp.maximum(a[i], b[7 - i]) for i in range(8)]
    return _bitonic8_desc(d)


def _top_m(xs, m):
    neg = jnp.full_like(xs[0], _NEG)
    xs = list(xs)
    while len(xs) % 4:
        xs.append(neg)
    quads = []
    for i in range(0, len(xs), 4):
        h0, l0 = _swap(xs[i], xs[i + 1])
        h1, l1 = _swap(xs[i + 2], xs[i + 3])
        quads.append(_sorted4(h0, l0, h1, l1))
    s8s = []
    for i in range(0, len(quads) - 1, 2):
        s8s.append(_merge44_sorted8(quads[i], quads[i + 1]))
    if len(quads) % 2:
        s8s.append(quads[-1] + [neg] * 4)
    acc = s8s[0]
    for s8 in s8s[1:]:
        acc = _merge88_top8(acc, s8)
    return acc[:m]


def _extract_kth(x, ub):
    def body(_, cur):
        m = jnp.where(x < cur, x, _NEG)
        return jnp.max(m, axis=1, keepdims=True)
    return jax.lax.fori_loop(
        0, ub, body, jnp.full((x.shape[0], 1), _POS, dtype=jnp.float32))


def _sim_strip(embs_ref, emba_ref):
    return jax.lax.dot_general(
        embs_ref[...], emba_ref[...],
        (((1,), (1,)), ((), ())),
        preferred_element_type=jnp.float32,
    )


def _cand_kernel(embs_ref, emba_ref, c_ref):
    s = _sim_strip(embs_ref, emba_ref)
    w = s.shape[1]
    g1 = w // 16
    xs = [s[:, i * g1:(i + 1) * g1] for i in range(16)]
    m4 = _top4_of16(xs)
    cand = jnp.concatenate(m4, axis=1)
    g2 = 128 if (4 * g1) % 128 == 0 else g1
    ys = [cand[:, i * g2:(i + 1) * g2] for i in range((4 * g1) // g2)]
    m6 = _top_m(ys, 6)
    c_ref[...] = jnp.concatenate(m6, axis=1)


def _fold_kernel(c_ref, f_ref):
    x = c_ref[...]
    w = x.shape[1]
    zs = [x[:, j * 128 + q * 32:j * 128 + q * 32 + 32]
          for j in range(w // 128) for q in range(4)]
    f_ref[...] = jnp.concatenate(_top_m(zs, 8), axis=1)


def _thresh_kernel(c_ref, t_ref):
    x = c_ref[...]
    t = _extract_kth(x, _K)
    t_ref[...] = jnp.broadcast_to(t, t_ref.shape)


def _sc_sort16(v):
    return plsc.sort_key_val(v, v, descending=True)[0]


def _sc_rev(v):
    return lax.rev(v, (0,))


def _make_sc_thresh(nrows, nc, rows_w):
    nvr = nc // 16
    mesh = plsc.VectorSubcoreMesh(core_axis_name="c", subcore_axis_name="s")

    @functools.partial(
        pl.kernel, mesh=mesh,
        out_type=jax.ShapeDtypeStruct((nrows * 16,), jnp.float32),
        compiler_params=pltpu.CompilerParams(needs_layout_passes=False),
        scratch_types=[
            pltpu.VMEM((rows_w * nc,), jnp.float32),
            pltpu.VMEM((rows_w * 16,), jnp.float32),
            pltpu.SemaphoreType.DMA,
        ],
    )
    def sc_thresh(cand_hbm, t_hbm, buf, tbuf, sem):
        wid = lax.axis_index("s") * 2 + lax.axis_index("c")
        base = wid * rows_w
        pltpu.async_copy(
            cand_hbm.at[pl.ds(base * nc, rows_w * nc)], buf, sem).wait()

        def row_body(i, carry):
            off = i * nc
            m1 = _sc_sort16(buf[pl.ds(off, 16)])
            m2 = _sc_sort16(buf[pl.ds(off + 16, 16)])
            c = jnp.maximum(m1, _sc_rev(m2))
            l = jnp.minimum(m1, _sc_rev(m2))
            m1, m2 = _sc_sort16(c), _sc_sort16(l)
            for j in range(2, nvr):
                vs = _sc_sort16(buf[pl.ds(off + 16 * j, 16)])
                rv = _sc_rev(vs)
                c = jnp.maximum(m1, rv)
                l = jnp.minimum(m1, rv)
                m1 = _sc_sort16(c)
                ls = _sc_rev(_sc_sort16(l))
                m2 = _sc_sort16(jnp.maximum(m2, ls))
            tbuf[pl.ds(i * 16, 16)] = m2
            return carry

        lax.fori_loop(0, rows_w, row_body, 0)
        pltpu.sync_copy(tbuf, t_hbm.at[pl.ds(base * 16, rows_w * 16)])

    return sc_thresh


def _mask_kernel(tlane, embs_ref, emba_ref, t_ref, cand_ref, o_ref):
    s = _sim_strip(embs_ref, emba_ref)
    no = o_ref.shape[1]
    t = t_ref[...][:, tlane:tlane + 1]
    c3 = jnp.sum(jnp.where(cand_ref[...] >= t, 1.0, 0.0),
                 axis=1, keepdims=True)
    msk = s >= t
    o_ref[...] = jnp.where(msk[:, :no], jnp.maximum(s[:, :no], 0.0), 0.0)
    cnt = jnp.sum(jnp.where(msk, 1.0, 0.0), axis=1, keepdims=True)

    @pl.when(jnp.max(jnp.abs(cnt - c3)) > 0.5)
    def _fallback():
        t2 = _extract_kth(s, _K)
        o_ref[...] = jnp.where((s >= t2)[:, :no],
                               jnp.maximum(s[:, :no], 0.0), 0.0)


def kernel(features, W0, W1):
    n, d = features.shape
    w0 = W0.reshape(1, d).astype(jnp.float32)
    w1 = W1.reshape(1, d).astype(jnp.float32)
    emb = pl.pallas_call(
        _emb_kernel,
        out_shape=jax.ShapeDtypeStruct((n, d), jnp.float32),
    )(features.astype(jnp.float32), w0, w1)

    npad = _NPAD if n == 10000 else n
    if npad != n:
        emba = jnp.concatenate(
            [emb, jnp.zeros((npad - n, d), jnp.float32)], axis=0)
    else:
        emba = emb

    nc = 6 * (128 if (npad // 4) % 128 == 0 else npad // 16)
    ra = 400 if n % 400 == 0 else n
    cand = pl.pallas_call(
        _cand_kernel,
        grid=(n // ra,),
        in_specs=[
            pl.BlockSpec((ra, d), lambda i: (i, 0)),
            pl.BlockSpec((npad, d), lambda i: (0, 0)),
        ],
        out_specs=pl.BlockSpec((ra, nc), lambda i: (i, 0)),
        out_shape=jax.ShapeDtypeStruct((n, nc), jnp.float32),
        compiler_params=pltpu.CompilerParams(
            dimension_semantics=("parallel",)),
    )(emb, emba)

    if nc % 768 == 0:
        rf = 2000 if n % 2000 == 0 else n
        cand = pl.pallas_call(
            _fold_kernel,
            grid=(n // rf,),
            in_specs=[pl.BlockSpec((rf, nc), lambda i: (i, 0))],
            out_specs=pl.BlockSpec((rf, 256), lambda i: (i, 0)),
            out_shape=jax.ShapeDtypeStruct((n, 256), jnp.float32),
            compiler_params=pltpu.CompilerParams(
                dimension_semantics=("parallel",)),
        )(cand)
        nc = 256

    if n == 10000 and nc == 256:
        candp = jnp.concatenate(
            [cand, jnp.full((npad - n, nc), _NEG, jnp.float32)],
            axis=0).reshape(-1)
        thr = _make_sc_thresh(npad, nc, npad // 32)(candp)
        thr = thr.reshape(npad, 16)
        tlane, tw = 14, 16
    else:
        thr = pl.pallas_call(
            _thresh_kernel,
            in_specs=[pl.BlockSpec((n, nc), lambda: (0, 0))],
            out_specs=pl.BlockSpec((n, 128), lambda: (0, 0)),
            out_shape=jax.ShapeDtypeStruct((n, 128), jnp.float32),
        )(cand)
        tlane, tw = 0, 128

    rc = 200 if n % 200 == 0 else n
    out = pl.pallas_call(
        functools.partial(_mask_kernel, tlane),
        grid=(n // rc,),
        in_specs=[
            pl.BlockSpec((rc, d), lambda i: (i, 0)),
            pl.BlockSpec((npad, d), lambda i: (0, 0)),
            pl.BlockSpec((rc, tw), lambda i: (i, 0)),
            pl.BlockSpec((rc, nc), lambda i: (i, 0)),
        ],
        out_specs=pl.BlockSpec((rc, n), lambda i: (i, 0)),
        out_shape=jax.ShapeDtypeStruct((n, n), jnp.float32),
        compiler_params=pltpu.CompilerParams(
            dimension_semantics=("parallel",)),
    )(emb, emba, thr, cand)
    return out

# --- scband reference (transcript-rebuilt; emitter-appended) ---
"""Pipeline reference for scband-mlp-diag-20083267076267 (READ-ONLY COPY).

The authoritative reference and input builder live on the scoring server;
editing this copy changes nothing except your own understanding.
"""

import jax, jax.numpy as jnp
import numpy as np

N = 10000
D = 128
K_PLUS_1 = 31  # self.k + 1 with k=30


def setup_inputs(seed: int = 0) -> dict:
    key = jax.random.key(seed)
    features = jax.random.normal(key, (N, D), dtype=jnp.float32)
    # Diag layers: elementwise diagonal weight vectors, initialized to ones
    W0 = jnp.ones((D,), dtype=jnp.float32)
    W1 = jnp.ones((D,), dtype=jnp.float32)
    return {"features": features, "W0": W0, "W1": W1}


def reference(features, W0, W1):
    # internal_forward: Diag -> relu -> Diag (mlp_act='relu', nlayers=2)
    h = features * W0
    h = jax.nn.relu(h)
    h = h * W1
    # F.normalize(h, dim=1, p=2)
    norm = jnp.maximum(jnp.linalg.norm(h, ord=2, axis=1, keepdims=True), 1e-12)
    emb = h / norm
    # cal_similarity_graph: emb @ emb.T
    sim = emb @ emb.T
    # top_k(sim, k+1): keep top-(k+1) entries per row, zero out the rest
    vals, idx = jax.lax.top_k(sim, K_PLUS_1)
    n = sim.shape[0]
    mask = jnp.zeros((n, n), dtype=sim.dtype).at[jnp.arange(n)[:, None], idx].set(1.0)
    sparse_graph = sim * mask
    # apply_non_linearity with non_linearity='relu'
    return jax.nn.relu(sparse_graph)

if __name__ == "__main__":
    import jax
    _d = setup_inputs()
    print(jax.jit(kernel)(*tuple(_d.values())))

</pallas_src>

<mosaic_0001>
#map = affine_map<(d0, d1) -> (0)>
module attributes {stable_mosaic.version = 14 : i64} {
  func.func @sc_thresh(%arg0: i32, %arg1: i32, %arg2: memref<2621440xf32, #tpu.memory_space<hbm>>, %arg3: memref<163840xf32, #tpu.memory_space<hbm>>, %arg4: memref<81920xf32, #tpu.memory_space<vmem>>, %arg5: memref<5120xf32, #tpu.memory_space<vmem>>, %arg6: memref<!tpu.dma_semaphore, #tpu.memory_space<semaphore_mem>>) attributes {dimension_semantics = [#tpu.dimension_semantics<core_parallel>, #tpu.dimension_semantics<subcore_parallel>], iteration_bounds = array<i64: 2, 16>, scalar_prefetch = 0 : i64, scratch_operands = 3 : i64, tpu.core_type = #tpu.core_type<sc_vector_subcore>, window_params = [{transform_indices = #map}, {transform_indices = #map}]} {
    %mul3A = arith.constant 2 : i32
    %mul3A_0 = arith.muli %arg1, %mul3A : i32
    %add3A = arith.addi %mul3A_0, %arg0 : i32
    %mul3A_1 = arith.constant 320 : i32
    %mul3A_2 = arith.muli %add3A, %mul3A_1 : i32
    %mul3A_3 = arith.constant 256 : i32
    %mul3A_4 = arith.muli %mul3A_2, %mul3A_3 : i32
    %dma_start3A = tpu.memref_slice %arg2[%mul3A_4] : memref<2621440xf32, #tpu.memory_space<hbm>> -> memref<81920xf32, #tpu.memory_space<hbm>>
    %dma_start3A_5 = tpu.memref_slice %arg2[%mul3A_4] : memref<2621440xf32, #tpu.memory_space<hbm>> -> memref<81920xf32, #tpu.memory_space<hbm>>
    tpu.enqueue_dma source(%dma_start3A_5 : memref<81920xf32, #tpu.memory_space<hbm>>) target(%arg4 : memref<81920xf32, #tpu.memory_space<vmem>>) target_semaphore(%arg6 : memref<!tpu.dma_semaphore, #tpu.memory_space<semaphore_mem>>)
    %dma_wait3A = tpu.memref_slice %arg2[%mul3A_4] : memref<2621440xf32, #tpu.memory_space<hbm>> -> memref<81920xf32, #tpu.memory_space<hbm>>
    %dma_wait3A_6 = tpu.memref_slice %arg2[%mul3A_4] : memref<2621440xf32, #tpu.memory_space<hbm>> -> memref<81920xf32, #tpu.memory_space<hbm>>
    tpu.wait_dma2 semaphore(%arg6 : memref<!tpu.dma_semaphore, #tpu.memory_space<semaphore_mem>>) src(%dma_wait3A_6 : memref<81920xf32, #tpu.memory_space<hbm>>) dst(%arg4 : memref<81920xf32, #tpu.memory_space<vmem>>)
    %scan3A = arith.constant 0 : i32
    %scan3A_7 = arith.constant 0 : i32
    %scan3A_8 = arith.constant 320 : i32
    %scan3A_9 = arith.addi %scan3A_7, %scan3A_8 : i32
    %scan3A_10 = arith.constant 1 : i32
    scf.for %scan3A_14 = %scan3A_7 to %scan3A_9 step %scan3A_10  : i32 {
      %mul3A_15 = arith.constant 256 : i32
      %mul3A_16 = arith.muli %scan3A_14, %mul3A_15 : i32
      %get3A = arith.index_cast %mul3A_16 : i32 to index
      %get3A_17 = tpu.vector_load %arg4[%get3A] {strides = array<i32>} : memref<81920xf32, #tpu.memory_space<vmem>>, vector<16xf32>,
      %masked_sort3A = arith.constant dense<true> : vector<16xi1>
      %masked_sort3A_18, %masked_sort3A_19, %masked_sort3A_20 = tpu.sort %get3A_17, %get3A_17 masked %masked_sort3A {descending = true} : (vector<16xf32>, vector<16xf32>, vector<16xi1>) -> (vector<16xi1>, vector<16xf32>, vector<16xf32>)
      %add3A_21 = arith.constant 16 : i32
      %add3A_22 = arith.addi %mul3A_16, %add3A_21 : i32
      %get3A_23 = arith.index_cast %add3A_22 : i32 to index
      %get3A_24 = tpu.vector_load %arg4[%get3A_23] {strides = array<i32>} : memref<81920xf32, #tpu.memory_space<vmem>>, vector<16xf32>,
      %masked_sort3A_25 = arith.constant dense<true> : vector<16xi1>
      %masked_sort3A_26, %masked_sort3A_27, %masked_sort3A_28 = tpu.sort %get3A_24, %get3A_24 masked %masked_sort3A_25 {descending = true} : (vector<16xf32>, vector<16xf32>, vector<16xi1>) -> (vector<16xi1>, vector<16xf32>, vector<16xf32>)
      %rev3A = arith.constant 15 : i32
      %rev3A_29 = vector.broadcast %rev3A : i32 to vector<16xi32>
      %rev3A_30 = tpu.iota {dimensions = array<i32: 0>} : vector<16xi32>
      %rev3A_31 = arith.subi %rev3A_29, %rev3A_30 : vector<16xi32>
      %rev3A_32 = tpu.dynamic_gather %masked_sort3A_27[%rev3A_31] in [0] : vector<16xf32>, vector<16xi32> -> vector<16xf32>
      %max3A = arith.maximumf %masked_sort3A_19, %rev3A_32 : vector<16xf32>
      %rev3A_33 = arith.constant 15 : i32
      %rev3A_34 = vector.broadcast %rev3A_33 : i32 to vector<16xi32>
      %rev3A_35 = tpu.iota {dimensions = array<i32: 0>} : vector<16xi32>
      %rev3A_36 = arith.subi %rev3A_34, %rev3A_35 : vector<16xi32>
      %rev3A_37 = tpu.dynamic_gather %masked_sort3A_27[%rev3A_36] in [0] : vector<16xf32>, vector<16xi32> -> vector<16xf32>
      %min3A = arith.minimumf %masked_sort3A_19, %rev3A_37 : vector<16xf32>
      %masked_sort3A_38 = arith.constant dense<true> : vector<16xi1>
      %masked_sort3A_39, %masked_sort3A_40, %masked_sort3A_41 = tpu.sort %max3A, %max3A masked %masked_sort3A_38 {descending = true} : (vector<16xf32>, vector<16xf32>, vector<16xi1>) -> (vector<16xi1>, vector<16xf32>, vector<16xf32>)
      %masked_sort3A_42 = arith.constant dense<true> : vector<16xi1>
      %masked_sort3A_43, %masked_sort3A_44, %masked_sort3A_45 = tpu.sort %min3A, %min3A masked %masked_sort3A_42 {descending = true} : (vector<16xf32>, vector<16xf32>, vector<16xi1>) -> (vector<16xi1>, vector<16xf32>, vector<16xf32>)
      %add3A_46 = arith.constant 32 : i32
      %add3A_47 = arith.addi %mul3A_16, %add3A_46 : i32
      %get3A_48 = arith.index_cast %add3A_47 : i32 to index
      %get3A_49 = tpu.vector_load %arg4[%get3A_48] {strides = array<i32>} : memref<81920xf32, #tpu.memory_space<vmem>>, vector<16xf32>,
      %masked_sort3A_50 = arith.constant dense<true> : vector<16xi1>
      %masked_sort3A_51, %masked_sort3A_52, %masked_sort3A_53 = tpu.sort %get3A_49, %get3A_49 masked %masked_sort3A_50 {descending = true} : (vector<16xf32>, vector<16xf32>, vector<16xi1>) -> (vector<16xi1>, vector<16xf32>, vector<16xf32>)
      %rev3A_54 = arith.constant 15 : i32
      %rev3A_55 = vector.broadcast %rev3A_54 : i32 to vector<16xi32>
      %rev3A_56 = tpu.iota {dimensions = array<i32: 0>} : vector<16xi32>
      %rev3A_57 = arith.subi %rev3A_55, %rev3A_56 : vector<16xi32>
      %rev3A_58 = tpu.dynamic_gather %masked_sort3A_52[%rev3A_57] in [0] : vector<16xf32>, vector<16xi32> -> vector<16xf32>
      %max3A_59 = arith.maximumf %masked_sort3A_40, %rev3A_58 : vector<16xf32>
      %min3A_60 = arith.minimumf %masked_sort3A_40, %rev3A_58 : vector<16xf32>
      %masked_sort3A_61 = arith.constant dense<true> : vector<16xi1>
      %masked_sort3A_62, %masked_sort3A_63, %masked_sort3A_64 = tpu.sort %max3A_59, %max3A_59 masked %masked_sort3A_61 {descending = true} : (vector<16xf32>, vector<16xf32>, vector<16xi1>) -> (vector<16xi1>, vector<16xf32>, vector<16xf32>)
      %masked_sort3A_65 = arith.constant dense<true> : vector<16xi1>
      %masked_sort3A_66, %masked_sort3A_67, %masked_sort3A_68 = tpu.sort %min3A_60, %min3A_60 masked %masked_sort3A_65 {descending = true} : (vector<16xf32>, vector<16xf32>, vector<16xi1>) -> (vector<16xi1>, vector<16xf32>, vector<16xf32>)
      %rev3A_69 = arith.constant 15 : i32
      %rev3A_70 = vector.broadcast %rev3A_69 : i32 to vector<16xi32>
      %rev3A_71 = tpu.iota {dimensions = array<i32: 0>} : vector<16xi32>
      %rev3A_72 = arith.subi %rev3A_70, %rev3A_71 : vector<16xi32>
      %rev3A_73 = tpu.dynamic_gather %masked_sort3A_67[%rev3A_72] in [0] : vector<16xf32>, vector<16xi32> -> vector<16xf32>
      %max3A_74 = arith.maximumf %masked_sort3A_44, %rev3A_73 : vector<16xf32>
      %masked_sort3A_75 = arith.constant dense<true> : vector<16xi1>
      %masked_sort3A_76, %masked_sort3A_77, %masked_sort3A_78 = tpu.sort %max3A_74, %max3A_74 masked %masked_sort3A_75 {descending = true} : (vector<16xf32>, vector<16xf32>, vector<16xi1>) -> (vector<16xi1>, vector<16xf32>, vector<16xf32>)
      %add3A_79 = arith.constant 48 : i32
      %add3A_80 = arith.addi %mul3A_16, %add3A_79 : i32
      %get3A_81 = arith.index_cast %add3A_80 : i32 to index
      %get3A_82 = tpu.vector_load %arg4[%get3A_81] {strides = array<i32>} : memref<81920xf32, #tpu.memory_space<vmem>>, vector<16xf32>,
      %masked_sort3A_83 = arith.constant dense<true> : vector<16xi1>
      %masked_sort3A_84, %masked_sort3A_85, %masked_sort3A_86 = tpu.sort %get3A_82, %get3A_82 masked %masked_sort3A_83 {descending = true} : (vector<16xf32>, vector<16xf32>, vector<16xi1>) -> (vector<16xi1>, vector<16xf32>, vector<16xf32>)
      %rev3A_87 = arith.constant 15 : i32
      %rev3A_88 = vector.broadcast %rev3A_87 : i32 to vector<16xi32>
      %rev3A_89 = tpu.iota {dimensions = array<i32: 0>} : vector<16xi32>
      %rev3A_90 = arith.subi %rev3A_88, %rev3A_89 : vector<16xi32>
      %rev3A_91 = tpu.dynamic_gather %masked_sort3A_85[%rev3A_90] in [0] : vector<16xf32>, vector<16xi32> -> vector<16xf32>
      %max3A_92 = arith.maximumf %masked_sort3A_63, %rev3A_91 : vector<16xf32>
      %min3A_93 = arith.minimumf %masked_sort3A_63, %rev3A_91 : vector<16xf32>
      %masked_sort3A_94 = arith.constant dense<true> : vector<16xi1>
      %masked_sort3A_95, %masked_sort3A_96, %masked_sort3A_97 = tpu.sort %max3A_92, %max3A_92 masked %masked_sort3A_94 {descending = true} : (vector<16xf32>, vector<16xf32>, vector<16xi1>) -> (vector<16xi1>, vector<16xf32>, vector<16xf32>)
      %masked_sort3A_98 = arith.constant dense<true> : vector<16xi1>
      %masked_sort3A_99, %masked_sort3A_100, %masked_sort3A_101 = tpu.sort %min3A_93, %min3A_93 masked %masked_sort3A_98 {descending = true} : (vector<16xf32>, vector<16xf32>, vector<16xi1>) -> (vector<16xi1>, vector<16xf32>, vector<16xf32>)
      %rev3A_102 = arith.constant 15 : i32
      %rev3A_103 = vector.broadcast %rev3A_102 : i32 to vector<16xi32>
      %rev3A_104 = tpu.iota {dimensions = array<i32: 0>} : vector<16xi32>
      %rev3A_105 = arith.subi %rev3A_103, %rev3A_104 : vector<16xi32>
      %rev3A_106 = tpu.dynamic_gather %masked_sort3A_100[%rev3A_105] in [0] : vector<16xf32>, vector<16xi32> -> vector<16xf32>
      %max3A_107 = arith.maximumf %masked_sort3A_77, %rev3A_106 : vector<16xf32>
      %masked_sort3A_108 = arith.constant dense<true> : vector<16xi1>
      %masked_sort3A_109, %masked_sort3A_110, %masked_sort3A_111 = tpu.sort %max3A_107, %max3A_107 masked %masked_sort3A_108 {descending = true} : (vector<16xf32>, vector<16xf32>, vector<16xi1>) -> (vector<16xi1>, vector<16xf32>, vector<16xf32>)
      %add3A_112 = arith.constant 64 : i32
      %add3A_113 = arith.addi %mul3A_16, %add3A_112 : i32
      %get3A_114 = arith.index_cast %add3A_113 : i32 to index
      %get3A_115 = tpu.vector_load %arg4[%get3A_114] {strides = array<i32>} : memref<81920xf32, #tpu.memory_space<vmem>>, vector<16xf32>,
      %masked_sort3A_116 = arith.constant dense<true> : vector<16xi1>
      %masked_sort3A_117, %masked_sort3A_118, %masked_sort3A_119 = tpu.sort %get3A_115, %get3A_115 masked %masked_sort3A_116 {descending = true} : (vector<16xf32>, vector<16xf32>, vector<16xi1>) -> (vector<16xi1>, vector<16xf32>, vector<16xf32>)
      %rev3A_120 = arith.constant 15 : i32
      %rev3A_121 = vector.broadcast %rev3A_120 : i32 to vector<16xi32>
      %rev3A_122 = tpu.iota {dimensions = array<i32: 0>} : vector<16xi32>
      %rev3A_123 = arith.subi %rev3A_121, %rev3A_122 : vector<16xi32>
      %rev3A_124 = tpu.dynamic_gather %masked_sort3A_118[%rev3A_123] in [0] : vector<16xf32>, vector<16xi32> -> vector<16xf32>
      %max3A_125 = arith.maximumf %masked_sort3A_96, %rev3A_124 : vector<16xf32>
      %min3A_126 = arith.minimumf %masked_sort3A_96, %rev3A_124 : vector<16xf32>
      %masked_sort3A_127 = arith.constant dense<true> : vector<16xi1>
      %masked_sort3A_128, %masked_sort3A_129, %masked_sort3A_130 = tpu.sort %max3A_125, %max3A_125 masked %masked_sort3A_127 {descending = true} : (vector<16xf32>, vector<16xf32>, vector<16xi1>) -> (vector<16xi1>, vector<16xf32>, vector<16xf32>)
      %masked_sort3A_131 = arith.constant dense<true> : vector<16xi1>
      %masked_sort3A_132, %masked_sort3A_133, %masked_sort3A_134 = tpu.sort %min3A_126, %min3A_126 masked %masked_sort3A_131 {descending = true} : (vector<16xf32>, vector<16xf32>, vector<16xi1>) -> (vector<16xi1>, vector<16xf32>, vector<16xf32>)
      %rev3A_135 = arith.constant 15 : i32
      %rev3A_136 = vector.broadcast %rev3A_135 : i32 to vector<16xi32>
      %rev3A_137 = tpu.iota {dimensions = array<i32: 0>} : vector<16xi32>
      %rev3A_138 = arith.subi %rev3A_136, %rev3A_137 : vector<16xi32>
      %rev3A_139 = tpu.dynamic_gather %masked_sort3A_133[%rev3A_138] in [0] : vector<16xf32>, vector<16xi32> -> vector<16xf32>
      %max3A_140 = arith.maximumf %masked_sort3A_110, %rev3A_139 : vector<16xf32>
      %masked_sort3A_141 = arith.constant dense<true> : vector<16xi1>
      %masked_sort3A_142, %masked_sort3A_143, %masked_sort3A_144 = tpu.sort %max3A_140, %max3A_140 masked %masked_sort3A_141 {descending = true} : (vector<16xf32>, vector<16xf32>, vector<16xi1>) -> (vector<16xi1>, vector<16xf32>, vector<16xf32>)
      %add3A_145 = arith.constant 80 : i32
      %add3A_146 = arith.addi %mul3A_16, %add3A_145 : i32
      %get3A_147 = arith.index_cast %add3A_146 : i32 to index
      %get3A_148 = tpu.vector_load %arg4[%get3A_147] {strides = array<i32>} : memref<81920xf32, #tpu.memory_space<vmem>>, vector<16xf32>,
      %masked_sort3A_149 = arith.constant dense<true> : vector<16xi1>
      %masked_sort3A_150, %masked_sort3A_151, %masked_sort3A_152 = tpu.sort %get3A_148, %get3A_148 masked %masked_sort3A_149 {descending = true} : (vector<16xf32>, vector<16xf32>, vector<16xi1>) -> (vector<16xi1>, vector<16xf32>, vector<16xf32>)
      %rev3A_153 = arith.constant 15 : i32
      %rev3A_154 = vector.broadcast %rev3A_153 : i32 to vector<16xi32>
      %rev3A_155 = tpu.iota {dimensions = array<i32: 0>} : vector<16xi32>
      %rev3A_156 = arith.subi %rev3A_154, %rev3A_155 : vector<16xi32>
      %rev3A_157 = tpu.dynamic_gather %masked_sort3A_151[%rev3A_156] in [0] : vector<16xf32>, vector<16xi32> -> vector<16xf32>
      %max3A_158 = arith.maximumf %masked_sort3A_129, %rev3A_157 : vector<16xf32>
      %min3A_159 = arith.minimumf %masked_sort3A_129, %rev3A_157 : vector<16xf32>
      %masked_sort3A_160 = arith.constant dense<true> : vector<16xi1>
      %masked_sort3A_161, %masked_sort3A_162, %masked_sort3A_163 = tpu.sort %max3A_158, %max3A_158 masked %masked_sort3A_160 {descending = true} : (vector<16xf32>, vector<16xf32>, vector<16xi1>) -> (vector<16xi1>, vector<16xf32>, vector<16xf32>)
      %masked_sort3A_164 = arith.constant dense<true> : vector<16xi1>
      %masked_sort3A_165, %masked_sort3A_166, %masked_sort3A_167 = tpu.sort %min3A_159, %min3A_159 masked %masked_sort3A_164 {descending = true} : (vector<16xf32>, vector<16xf32>, vector<16xi1>) -> (vector<16xi1>, vector<16xf32>, vector<16xf32>)
      %rev3A_168 = arith.constant 15 : i32
      %rev3A_169 = vector.broadcast %rev3A_168 : i32 to vector<16xi32>
      %rev3A_170 = tpu.iota {dimensions = array<i32: 0>} : vector<16xi32>
      %rev3A_171 = arith.subi %rev3A_169, %rev3A_170 : vector<16xi32>
      %rev3A_172 = tpu.dynamic_gather %masked_sort3A_166[%rev3A_171] in [0] : vector<16xf32>, vector<16xi32> -> vector<16xf32>
      %max3A_173 = arith.maximumf %masked_sort3A_143, %rev3A_172 : vector<16xf32>
      %masked_sort3A_174 = arith.constant dense<true> : vector<16xi1>
      %masked_sort3A_175, %masked_sort3A_176, %masked_sort3A_177 = tpu.sort %max3A_173, %max3A_173 masked %masked_sort3A_174 {descending = true} : (vector<16xf32>, vector<16xf32>, vector<16xi1>) -> (vector<16xi1>, vector<16xf32>, vector<16xf32>)
      %add3A_178 = arith.constant 96 : i32
      %add3A_179 = arith.addi %mul3A_16, %add3A_178 : i32
      %get3A_180 = arith.index_cast %add3A_179 : i32 to index
      %get3A_181 = tpu.vector_load %arg4[%get3A_180] {strides = array<i32>} : memref<81920xf32, #tpu.memory_space<vmem>>, vector<16xf32>,
      %masked_sort3A_182 = arith.constant dense<true> : vector<16xi1>
      %masked_sort3A_183, %masked_sort3A_184, %masked_sort3A_185 = tpu.sort %get3A_181, %get3A_181 masked %masked_sort3A_182 {descending = true} : (vector<16xf32>, vector<16xf32>, vector<16xi1>) -> (vector<16xi1>, vector<16xf32>, vector<16xf32>)
      %rev3A_186 = arith.constant 15 : i32
      %rev3A_187 = vector.broadcast %rev3A_186 : i32 to vector<16xi32>
      %rev3A_188 = tpu.iota {dimensions = array<i32: 0>} : vector<16xi32>
      %rev3A_189 = arith.subi %rev3A_187, %rev3A_188 : vector<16xi32>
      %rev3A_190 = tpu.dynamic_gather %masked_sort3A_184[%rev3A_189] in [0] : vector<16xf32>, vector<16xi32> -> vector<16xf32>
      %max3A_191 = arith.maximumf %masked_sort3A_162, %rev3A_190 : vector<16xf32>
      %min3A_192 = arith.minimumf %masked_sort3A_162, %rev3A_190 : vector<16xf32>
      %masked_sort3A_193 = arith.constant dense<true> : vector<16xi1>
      %masked_sort3A_194, %masked_sort3A_195, %masked_sort3A_196 = tpu.sort %max3A_191, %max3A_191 masked %masked_sort3A_193 {descending = true} : (vector<16xf32>, vector<16xf32>, vector<16xi1>) -> (vector<16xi1>, vector<16xf32>, vector<16xf32>)
      %masked_sort3A_197 = arith.constant dense<true> : vector<16xi1>
      %masked_sort3A_198, %masked_sort3A_199, %masked_sort3A_200 = tpu.sort %min3A_192, %min3A_192 masked %masked_sort3A_197 {descending = true} : (vector<16xf32>, vector<16xf32>, vector<16xi1>) -> (vector<16xi1>, vector<16xf32>, vector<16xf32>)
      %rev3A_201 = arith.constant 15 : i32
      %rev3A_202 = vector.broadcast %rev3A_201 : i32 to vector<16xi32>
      %rev3A_203 = tpu.iota {dimensions = array<i32: 0>} : vector<16xi32>
      %rev3A_204 = arith.subi %rev3A_202, %rev3A_203 : vector<16xi32>
      %rev3A_205 = tpu.dynamic_gather %masked_sort3A_199[%rev3A_204] in [0] : vector<16xf32>, vector<16xi32> -> vector<16xf32>
      %max3A_206 = arith.maximumf %masked_sort3A_176, %rev3A_205 : vector<16xf32>
      %masked_sort3A_207 = arith.constant dense<true> : vector<16xi1>
      %masked_sort3A_208, %masked_sort3A_209, %masked_sort3A_210 = tpu.sort %max3A_206, %max3A_206 masked %masked_sort3A_207 {descending = true} : (vector<16xf32>, vector<16xf32>, vector<16xi1>) -> (vector<16xi1>, vector<16xf32>, vector<16xf32>)
      %add3A_211 = arith.constant 112 : i32
      %add3A_212 = arith.addi %mul3A_16, %add3A_211 : i32
      %get3A_213 = arith.index_cast %add3A_212 : i32 to index
      %get3A_214 = tpu.vector_load %arg4[%get3A_213] {strides = array<i32>} : memref<81920xf32, #tpu.memory_space<vmem>>, vector<16xf32>,
      %masked_sort3A_215 = arith.constant dense<true> : vector<16xi1>
      %masked_sort3A_216, %masked_sort3A_217, %masked_sort3A_218 = tpu.sort %get3A_214, %get3A_214 masked %masked_sort3A_215 {descending = true} : (vector<16xf32>, vector<16xf32>, vector<16xi1>) -> (vector<16xi1>, vector<16xf32>, vector<16xf32>)
      %rev3A_219 = arith.constant 15 : i32
      %rev3A_220 = vector.broadcast %rev3A_219 : i32 to vector<16xi32>
      %rev3A_221 = tpu.iota {dimensions = array<i32: 0>} : vector<16xi32>
      %rev3A_222 = arith.subi %rev3A_220, %rev3A_221 : vector<16xi32>
      %rev3A_223 = tpu.dynamic_gather %masked_sort3A_217[%rev3A_222] in [0] : vector<16xf32>, vector<16xi32> -> vector<16xf32>
      %max3A_224 = arith.maximumf %masked_sort3A_195, %rev3A_223 : vector<16xf32>
      %min3A_225 = arith.minimumf %masked_sort3A_195, %rev3A_223 : vector<16xf32>
      %masked_sort3A_226 = arith.constant dense<true> : vector<16xi1>
      %masked_sort3A_227, %masked_sort3A_228, %masked_sort3A_229 = tpu.sort %max3A_224, %max3A_224 masked %masked_sort3A_226 {descending = true} : (vector<16xf32>, vector<16xf32>, vector<16xi1>) -> (vector<16xi1>, vector<16xf32>, vector<16xf32>)
      %masked_sort3A_230 = arith.constant dense<true> : vector<16xi1>
      %masked_sort3A_231, %masked_sort3A_232, %masked_sort3A_233 = tpu.sort %min3A_225, %min3A_225 masked %masked_sort3A_230 {descending = true} : (vector<16xf32>, vector<16xf32>, vector<16xi1>) -> (vector<16xi1>, vector<16xf32>, vector<16xf32>)
      %rev3A_234 = arith.constant 15 : i32
      %rev3A_235 = vector.broadcast %rev3A_234 : i32 to vector<16xi32>
      %rev3A_236 = tpu.iota {dimensions = array<i32: 0>} : vector<16xi32>
      %rev3A_237 = arith.subi %rev3A_235, %rev3A_236 : vector<16xi32>
      %rev3A_238 = tpu.dynamic_gather %masked_sort3A_232[%rev3A_237] in [0] : vector<16xf32>, vector<16xi32> -> vector<16xf32>
      %max3A_239 = arith.maximumf %masked_sort3A_209, %rev3A_238 : vector<16xf32>
      %masked_sort3A_240 = arith.constant dense<true> : vector<16xi1>
      %masked_sort3A_241, %masked_sort3A_242, %masked_sort3A_243 = tpu.sort %max3A_239, %max3A_239 masked %masked_sort3A_240 {descending = true} : (vector<16xf32>, vector<16xf32>, vector<16xi1>) -> (vector<16xi1>, vector<16xf32>, vector<16xf32>)
      %add3A_244 = arith.constant 128 : i32
      %add3A_245 = arith.addi %mul3A_16, %add3A_244 : i32
      %get3A_246 = arith.index_cast %add3A_245 : i32 to index
      %get3A_247 = tpu.vector_load %arg4[%get3A_246] {strides = array<i32>} : memref<81920xf32, #tpu.memory_space<vmem>>, vector<16xf32>,
      %masked_sort3A_248 = arith.constant dense<true> : vector<16xi1>
      %masked_sort3A_249, %masked_sort3A_250, %masked_sort3A_251 = tpu.sort %get3A_247, %get3A_247 masked %masked_sort3A_248 {descending = true} : (vector<16xf32>, vector<16xf32>, vector<16xi1>) -> (vector<16xi1>, vector<16xf32>, vector<16xf32>)
      %rev3A_252 = arith.constant 15 : i32
      %rev3A_253 = vector.broadcast %rev3A_252 : i32 to vector<16xi32>
      %rev3A_254 = tpu.iota {dimensions = array<i32: 0>} : vector<16xi32>
      %rev3A_255 = arith.subi %rev3A_253, %rev3A_254 : vector<16xi32>
      %rev3A_256 = tpu.dynamic_gather %masked_sort3A_250[%rev3A_255] in [0] : vector<16xf32>, vector<16xi32> -> vector<16xf32>
      %max3A_257 = arith.maximumf %masked_sort3A_228, %rev3A_256 : vector<16xf32>
      %min3A_258 = arith.minimumf %masked_sort3A_228, %rev3A_256 : vector<16xf32>
      %masked_sort3A_259 = arith.constant dense<true> : vector<16xi1>
      %masked_sort3A_260, %masked_sort3A_261, %masked_sort3A_262 = tpu.sort %max3A_257, %max3A_257 masked %masked_sort3A_259 {descending = true} : (vector<16xf32>, vector<16xf32>, vector<16xi1>) -> (vector<16xi1>, vector<16xf32>, vector<16xf32>)
      %masked_sort3A_263 = arith.constant dense<true> : vector<16xi1>
      %masked_sort3A_264, %masked_sort3A_265, %masked_sort3A_266 = tpu.sort %min3A_258, %min3A_258 masked %masked_sort3A_263 {descending = true} : (vector<16xf32>, vector<16xf32>, vector<16xi1>) -> (vector<16xi1>, vector<16xf32>, vector<16xf32>)
      %rev3A_267 = arith.constant 15 : i32
      %rev3A_268 = vector.broadcast %rev3A_267 : i32 to vector<16xi32>
      %rev3A_269 = tpu.iota {dimensions = array<i32: 0>} : vector<16xi32>
      %rev3A_270 = arith.subi %rev3A_268, %rev3A_269 : vector<16xi32>
      %rev3A_271 = tpu.dynamic_gather %masked_sort3A_265[%rev3A_270] in [0] : vector<16xf32>, vector<16xi32> -> vector<16xf32>
      %max3A_272 = arith.maximumf %masked_sort3A_242, %rev3A_271 : vector<16xf32>
      %masked_sort3A_273 = arith.constant dense<true> : vector<16xi1>
      %masked_sort3A_274, %masked_sort3A_275, %masked_sort3A_276 = tpu.sort %max3A_272, %max3A_272 masked %masked_sort3A_273 {descending = true} : (vector<16xf32>, vector<16xf32>, vector<16xi1>) -> (vector<16xi1>, vector<16xf32>, vector<16xf32>)
      %add3A_277 = arith.constant 144 : i32
      %add3A_278 = arith.addi %mul3A_16, %add3A_277 : i32
      %get3A_279 = arith.index_cast %add3A_278 : i32 to index
      %get3A_280 = tpu.vector_load %arg4[%get3A_279] {strides = array<i32>} : memref<81920xf32, #tpu.memory_space<vmem>>, vector<16xf32>,
      %masked_sort3A_281 = arith.constant dense<true> : vector<16xi1>
      %masked_sort3A_282, %masked_sort3A_283, %masked_sort3A_284 = tpu.sort %get3A_280, %get3A_280 masked %masked_sort3A_281 {descending = true} : (vector<16xf32>, vector<16xf32>, vector<16xi1>) -> (vector<16xi1>, vector<16xf32>, vector<16xf32>)
      %rev3A_285 = arith.constant 15 : i32
      %rev3A_286 = vector.broadcast %rev3A_285 : i32 to vector<16xi32>
      %rev3A_287 = tpu.iota {dimensions = array<i32: 0>} : vector<16xi32>
      %rev3A_288 = arith.subi %rev3A_286, %rev3A_287 : vector<16xi32>
      %rev3A_289 = tpu.dynamic_gather %masked_sort3A_283[%rev3A_288] in [0] : vector<16xf32>, vector<16xi32> -> vector<16xf32>
      %max3A_290 = arith.maximumf %masked_sort3A_261, %rev3A_289 : vector<16xf32>
      %min3A_291 = arith.minimumf %masked_sort3A_261, %rev3A_289 : vector<16xf32>
      %masked_sort3A_292 = arith.constant dense<true> : vector<16xi1>
      %masked_sort3A_293, %masked_sort3A_294, %masked_sort3A_295 = tpu.sort %max3A_290, %max3A_290 masked %masked_sort3A_292 {descending = true} : (vector<16xf32>, vector<16xf32>, vector<16xi1>) -> (vector<16xi1>, vector<16xf32>, vector<16xf32>)
      %masked_sort3A_296 = arith.constant dense<true> : vector<16xi1>
      %masked_sort3A_297, %masked_sort3A_298, %masked_sort3A_299 = tpu.sort %min3A_291, %min3A_291 masked %masked_sort3A_296 {descending = true} : (vector<16xf32>, vector<16xf32>, vector<16xi1>) -> (vector<16xi1>, vector<16xf32>, vector<16xf32>)
      %rev3A_300 = arith.constant 15 : i32
      %rev3A_301 = vector.broadcast %rev3A_300 : i32 to vector<16xi32>
      %rev3A_302 = tpu.iota {dimensions = array<i32: 0>} : vector<16xi32>
      %rev3A_303 = arith.subi %rev3A_301, %rev3A_302 : vector<16xi32>
      %rev3A_304 = tpu.dynamic_gather %masked_sort3A_298[%rev3A_303] in [0] : vector<16xf32>, vector<16xi32> -> vector<16xf32>
      %max3A_305 = arith.maximumf %masked_sort3A_275, %rev3A_304 : vector<16xf32>
      %masked_sort3A_306 = arith.constant dense<true> : vector<16xi1>
      %masked_sort3A_307, %masked_sort3A_308, %masked_sort3A_309 = tpu.sort %max3A_305, %max3A_305 masked %masked_sort3A_306 {descending = true} : (vector<16xf32>, vector<16xf32>, vector<16xi1>) -> (vector<16xi1>, vector<16xf32>, vector<16xf32>)
      %add3A_310 = arith.constant 160 : i32
      %add3A_311 = arith.addi %mul3A_16, %add3A_310 : i32
      %get3A_312 = arith.index_cast %add3A_311 : i32 to index
      %get3A_313 = tpu.vector_load %arg4[%get3A_312] {strides = array<i32>} : memref<81920xf32, #tpu.memory_space<vmem>>, vector<16xf32>,
      %masked_sort3A_314 = arith.constant dense<true> : vector<16xi1>
      %masked_sort3A_315, %masked_sort3A_316, %masked_sort3A_317 = tpu.sort %get3A_313, %get3A_313 masked %masked_sort3A_314 {descending = true} : (vector<16xf32>, vector<16xf32>, vector<16xi1>) -> (vector<16xi1>, vector<16xf32>, vector<16xf32>)
      %rev3A_318 = arith.constant 15 : i32
      %rev3A_319 = vector.broadcast %rev3A_318 : i32 to vector<16xi32>
      %rev3A_320 = tpu.iota {dimensions = array<i32: 0>} : vector<16xi32>
      %rev3A_321 = arith.subi %rev3A_319, %rev3A_320 : vector<16xi32>
      %rev3A_322 = tpu.dynamic_gather %masked_sort3A_316[%rev3A_321] in [0] : vector<16xf32>, vector<16xi32> -> vector<16xf32>
      %max3A_323 = arith.maximumf %masked_sort3A_294, %rev3A_322 : vector<16xf32>
      %min3A_324 = arith.minimumf %masked_sort3A_294, %rev3A_322 : vector<16xf32>
      %masked_sort3A_325 = arith.constant dense<true> : vector<16xi1>
      %masked_sort3A_326, %masked_sort3A_327, %masked_sort3A_328 = tpu.sort %max3A_323, %max3A_323 masked %masked_sort3A_325 {descending = true} : (vector<16xf32>, vector<16xf32>, vector<16xi1>) -> (vector<16xi1>, vector<16xf32>, vector<16xf32>)
      %masked_sort3A_329 = arith.constant dense<true> : vector<16xi1>
      %masked_sort3A_330, %masked_sort3A_331, %masked_sort3A_332 = tpu.sort %min3A_324, %min3A_324 masked %masked_sort3A_329 {descending = true} : (vector<16xf32>, vector<16xf32>, vector<16xi1>) -> (vector<16xi1>, vector<16xf32>, vector<16xf32>)
      %rev3A_333 = arith.constant 15 : i32
      %rev3A_334 = vector.broadcast %rev3A_333 : i32 to vector<16xi32>
      %rev3A_335 = tpu.iota {dimensions = array<i32: 0>} : vector<16xi32>
      %rev3A_336 = arith.subi %rev3A_334, %rev3A_335 : vector<16xi32>
      %rev3A_337 = tpu.dynamic_gather %masked_sort3A_331[%rev3A_336] in [0] : vector<16xf32>, vector<16xi32> -> vector<16xf32>
      %max3A_338 = arith.maximumf %masked_sort3A_308, %rev3A_337 : vector<16xf32>
      %masked_sort3A_339 = arith.constant dense<true> : vector<16xi1>
      %masked_sort3A_340, %masked_sort3A_341, %masked_sort3A_342 = tpu.sort %max3A_338, %max3A_338 masked %masked_sort3A_339 {descending = true} : (vector<16xf32>, vector<16xf32>, vector<16xi1>) -> (vector<16xi1>, vector<16xf32>, vector<16xf32>)
      %add3A_343 = arith.constant 176 : i32
      %add3A_344 = arith.addi %mul3A_16, %add3A_343 : i32
      %get3A_345 = arith.index_cast %add3A_344 : i32 to index
      %get3A_346 = tpu.vector_load %arg4[%get3A_345] {strides = array<i32>} : memref<81920xf32, #tpu.memory_space<vmem>>, vector<16xf32>,
      %masked_sort3A_347 = arith.constant dense<true> : vector<16xi1>
      %masked_sort3A_348, %masked_sort3A_349, %masked_sort3A_350 = tpu.sort %get3A_346, %get3A_346 masked %masked_sort3A_347 {descending = true} : (vector<16xf32>, vector<16xf32>, vector<16xi1>) -> (vector<16xi1>, vector<16xf32>, vector<16xf32>)
      %rev3A_351 = arith.constant 15 : i32
      %rev3A_352 = vector.broadcast %rev3A_351 : i32 to vector<16xi32>
      %rev3A_353 = tpu.iota {dimensions = array<i32: 0>} : vector<16xi32>
      %rev3A_354 = arith.subi %rev3A_352, %rev3A_353 : vector<16xi32>
      %rev3A_355 = tpu.dynamic_gather %masked_sort3A_349[%rev3A_354] in [0] : vector<16xf32>, vector<16xi32> -> vector<16xf32>
      %max3A_356 = arith.maximumf %masked_sort3A_327, %rev3A_355 : vector<16xf32>
      %min3A_357 = arith.minimumf %masked_sort3A_327, %rev3A_355 : vector<16xf32>
      %masked_sort3A_358 = arith.constant dense<true> : vector<16xi1>
      %masked_sort3A_359, %masked_sort3A_360, %masked_sort3A_361 = tpu.sort %max3A_356, %max3A_356 masked %masked_sort3A_358 {descending = true} : (vector<16xf32>, vector<16xf32>, vector<16xi1>) -> (vector<16xi1>, vector<16xf32>, vector<16xf32>)
      %masked_sort3A_362 = arith.constant dense<true> : vector<16xi1>
      %masked_sort3A_363, %masked_sort3A_364, %masked_sort3A_365 = tpu.sort %min3A_357, %min3A_357 masked %masked_sort3A_362 {descending = true} : (vector<16xf32>, vector<16xf32>, vector<16xi1>) -> (vector<16xi1>, vector<16xf32>, vector<16xf32>)
      %rev3A_366 = arith.constant 15 : i32
      %rev3A_367 = vector.broadcast %rev3A_366 : i32 to vector<16xi32>
      %rev3A_368 = tpu.iota {dimensions = array<i32: 0>} : vector<16xi32>
      %rev3A_369 = arith.subi %rev3A_367, %rev3A_368 : vector<16xi32>
      %rev3A_370 = tpu.dynamic_gather %masked_sort3A_364[%rev3A_369] in [0] : vector<16xf32>, vector<16xi32> -> vector<16xf32>
      %max3A_371 = arith.maximumf %masked_sort3A_341, %rev3A_370 : vector<16xf32>
      %masked_sort3A_372 = arith.constant dense<true> : vector<16xi1>
      %masked_sort3A_373, %masked_sort3A_374, %masked_sort3A_375 = tpu.sort %max3A_371, %max3A_371 masked %masked_sort3A_372 {descending = true} : (vector<16xf32>, vector<16xf32>, vector<16xi1>) -> (vector<16xi1>, vector<16xf32>, vector<16xf32>)
      %add3A_376 = arith.constant 192 : i32
      %add3A_377 = arith.addi %mul3A_16, %add3A_376 : i32
      %get3A_378 = arith.index_cast %add3A_377 : i32 to index
      %get3A_379 = tpu.vector_load %arg4[%get3A_378] {strides = array<i32>} : memref<81920xf32, #tpu.memory_space<vmem>>, vector<16xf32>,
      %masked_sort3A_380 = arith.constant dense<true> : vector<16xi1>
      %masked_sort3A_381, %masked_sort3A_382, %masked_sort3A_383 = tpu.sort %get3A_379, %get3A_379 masked %masked_sort3A_380 {descending = true} : (vector<16xf32>, vector<16xf32>, vector<16xi1>) -> (vector<16xi1>, vector<16xf32>, vector<16xf32>)
      %rev3A_384 = arith.constant 15 : i32
      %rev3A_385 = vector.broadcast %rev3A_384 : i32 to vector<16xi32>
      %rev3A_386 = tpu.iota {dimensions = array<i32: 0>} : vector<16xi32>
      %rev3A_387 = arith.subi %rev3A_385, %rev3A_386 : vector<16xi32>
      %rev3A_388 = tpu.dynamic_gather %masked_sort3A_382[%rev3A_387] in [0] : vector<16xf32>, vector<16xi32> -> vector<16xf32>
      %max3A_389 = arith.maximumf %masked_sort3A_360, %rev3A_388 : vector<16xf32>
      %min3A_390 = arith.minimumf %masked_sort3A_360, %rev3A_388 : vector<16xf32>
      %masked_sort3A_391 = arith.constant dense<true> : vector<16xi1>
      %masked_sort3A_392, %masked_sort3A_393, %masked_sort3A_394 = tpu.sort %max3A_389, %max3A_389 masked %masked_sort3A_391 {descending = true} : (vector<16xf32>, vector<16xf32>, vector<16xi1>) -> (vector<16xi1>, vector<16xf32>, vector<16xf32>)
      %masked_sort3A_395 = arith.constant dense<true> : vector<16xi1>
      %masked_sort3A_396, %masked_sort3A_397, %masked_sort3A_398 = tpu.sort %min3A_390, %min3A_390 masked %masked_sort3A_395 {descending = true} : (vector<16xf32>, vector<16xf32>, vector<16xi1>) -> (vector<16xi1>, vector<16xf32>, vector<16xf32>)
      %rev3A_399 = arith.constant 15 : i32
      %rev3A_400 = vector.broadcast %rev3A_399 : i32 to vector<16xi32>
      %rev3A_401 = tpu.iota {dimensions = array<i32: 0>} : vector<16xi32>
      %rev3A_402 = arith.subi %rev3A_400, %rev3A_401 : vector<16xi32>
      %rev3A_403 = tpu.dynamic_gather %masked_sort3A_397[%rev3A_402] in [0] : vector<16xf32>, vector<16xi32> -> vector<16xf32>
      %max3A_404 = arith.maximumf %masked_sort3A_374, %rev3A_403 : vector<16xf32>
      %masked_sort3A_405 = arith.constant dense<true> : vector<16xi1>
      %masked_sort3A_406, %masked_sort3A_407, %masked_sort3A_408 = tpu.sort %max3A_404, %max3A_404 masked %masked_sort3A_405 {descending = true} : (vector<16xf32>, vector<16xf32>, vector<16xi1>) -> (vector<16xi1>, vector<16xf32>, vector<16xf32>)
      %add3A_409 = arith.constant 208 : i32
      %add3A_410 = arith.addi %mul3A_16, %add3A_409 : i32
      %get3A_411 = arith.index_cast %add3A_410 : i32 to index
      %get3A_412 = tpu.vector_load %arg4[%get3A_411] {strides = array<i32>} : memref<81920xf32, #tpu.memory_space<vmem>>, vector<16xf32>,
      %masked_sort3A_413 = arith.constant dense<true> : vector<16xi1>
      %masked_sort3A_414, %masked_sort3A_415, %masked_sort3A_416 = tpu.sort %get3A_412, %get3A_412 masked %masked_sort3A_413 {descending = true} : (vector<16xf32>, vector<16xf32>, vector<16xi1>) -> (vector<16xi1>, vector<16xf32>, vector<16xf32>)
      %rev3A_417 = arith.constant 15 : i32
      %rev3A_418 = vector.broadcast %rev3A_417 : i32 to vector<16xi32>
      %rev3A_419 = tpu.iota {dimensions = array<i32: 0>} : vector<16xi32>
      %rev3A_420 = arith.subi %rev3A_418, %rev3A_419 : vector<16xi32>
      %rev3A_421 = tpu.dynamic_gather %masked_sort3A_415[%rev3A_420] in [0] : vector<16xf32>, vector<16xi32> -> vector<16xf32>
      %max3A_422 = arith.maximumf %masked_sort3A_393, %rev3A_421 : vector<16xf32>
      %min3A_423 = arith.minimumf %masked_sort3A_393, %rev3A_421 : vector<16xf32>
      %masked_sort3A_424 = arith.constant dense<true> : vector<16xi1>
      %masked_sort3A_425, %masked_sort3A_426, %masked_sort3A_427 = tpu.sort %max3A_422, %max3A_422 masked %masked_sort3A_424 {descending = true} : (vector<16xf32>, vector<16xf32>, vector<16xi1>) -> (vector<16xi1>, vector<16xf32>, vector<16xf32>)
      %masked_sort3A_428 = arith.constant dense<true> : vector<16xi1>
      %masked_sort3A_429, %masked_sort3A_430, %masked_sort3A_431 = tpu.sort %min3A_423, %min3A_423 masked %masked_sort3A_428 {descending = true} : (vector<16xf32>, vector<16xf32>, vector<16xi1>) -> (vector<16xi1>, vector<16xf32>, vector<16xf32>)
      %rev3A_432 = arith.constant 15 : i32
      %rev3A_433 = vector.broadcast %rev3A_432 : i32 to vector<16xi32>
      %rev3A_434 = tpu.iota {dimensions = array<i32: 0>} : vector<16xi32>
      %rev3A_435 = arith.subi %rev3A_433, %rev3A_434 : vector<16xi32>
      %rev3A_436 = tpu.dynamic_gather %masked_sort3A_430[%rev3A_435] in [0] : vector<16xf32>, vector<16xi32> -> vector<16xf32>
      %max3A_437 = arith.maximumf %masked_sort3A_407, %rev3A_436 : vector<16xf32>
      %masked_sort3A_438 = arith.constant dense<true> : vector<16xi1>
      %masked_sort3A_439, %masked_sort3A_440, %masked_sort3A_441 = tpu.sort %max3A_437, %max3A_437 masked %masked_sort3A_438 {descending = true} : (vector<16xf32>, vector<16xf32>, vector<16xi1>) -> (vector<16xi1>, vector<16xf32>, vector<16xf32>)
      %add3A_442 = arith.constant 224 : i32
      %add3A_443 = arith.addi %mul3A_16, %add3A_442 : i32
      %get3A_444 = arith.index_cast %add3A_443 : i32 to index
      %get3A_445 = tpu.vector_load %arg4[%get3A_444] {strides = array<i32>} : memref<81920xf32, #tpu.memory_space<vmem>>, vector<16xf32>,
      %masked_sort3A_446 = arith.constant dense<true> : vector<16xi1>
      %masked_sort3A_447, %masked_sort3A_448, %masked_sort3A_449 = tpu.sort %get3A_445, %get3A_445 masked %masked_sort3A_446 {descending = true} : (vector<16xf32>, vector<16xf32>, vector<16xi1>) -> (vector<16xi1>, vector<16xf32>, vector<16xf32>)
      %rev3A_450 = arith.constant 15 : i32
      %rev3A_451 = vector.broadcast %rev3A_450 : i32 to vector<16xi32>
      %rev3A_452 = tpu.iota {dimensions = array<i32: 0>} : vector<16xi32>
      %rev3A_453 = arith.subi %rev3A_451, %rev3A_452 : vector<16xi32>
      %rev3A_454 = tpu.dynamic_gather %masked_sort3A_448[%rev3A_453] in [0] : vector<16xf32>, vector<16xi32> -> vector<16xf32>
      %max3A_455 = arith.maximumf %masked_sort3A_426, %rev3A_454 : vector<16xf32>
      %min3A_456 = arith.minimumf %masked_sort3A_426, %rev3A_454 : vector<16xf32>
      %masked_sort3A_457 = arith.constant dense<true> : vector<16xi1>
      %masked_sort3A_458, %masked_sort3A_459, %masked_sort3A_460 = tpu.sort %max3A_455, %max3A_455 masked %masked_sort3A_457 {descending = true} : (vector<16xf32>, vector<16xf32>, vector<16xi1>) -> (vector<16xi1>, vector<16xf32>, vector<16xf32>)
      %masked_sort3A_461 = arith.constant dense<true> : vector<16xi1>
      %masked_sort3A_462, %masked_sort3A_463, %masked_sort3A_464 = tpu.sort %min3A_456, %min3A_456 masked %masked_sort3A_461 {descending = true} : (vector<16xf32>, vector<16xf32>, vector<16xi1>) -> (vector<16xi1>, vector<16xf32>, vector<16xf32>)
      %rev3A_465 = arith.constant 15 : i32
      %rev3A_466 = vector.broadcast %rev3A_465 : i32 to vector<16xi32>
      %rev3A_467 = tpu.iota {dimensions = array<i32: 0>} : vector<16xi32>
      %rev3A_468 = arith.subi %rev3A_466, %rev3A_467 : vector<16xi32>
      %rev3A_469 = tpu.dynamic_gather %masked_sort3A_463[%rev3A_468] in [0] : vector<16xf32>, vector<16xi32> -> vector<16xf32>
      %max3A_470 = arith.maximumf %masked_sort3A_440, %rev3A_469 : vector<16xf32>
      %masked_sort3A_471 = arith.constant dense<true> : vector<16xi1>
      %masked_sort3A_472, %masked_sort3A_473, %masked_sort3A_474 = tpu.sort %max3A_470, %max3A_470 masked %masked_sort3A_471 {descending = true} : (vector<16xf32>, vector<16xf32>, vector<16xi1>) -> (vector<16xi1>, vector<16xf32>, vector<16xf32>)
      %add3A_475 = arith.constant 240 : i32
      %add3A_476 = arith.addi %mul3A_16, %add3A_475 : i32
      %get3A_477 = arith.index_cast %add3A_476 : i32 to index
      %get3A_478 = tpu.vector_load %arg4[%get3A_477] {strides = array<i32>} : memref<81920xf32, #tpu.memory_space<vmem>>, vector<16xf32>,
      %masked_sort3A_479 = arith.constant dense<true> : vector<16xi1>
      %masked_sort3A_480, %masked_sort3A_481, %masked_sort3A_482 = tpu.sort %get3A_478, %get3A_478 masked %masked_sort3A_479 {descending = true} : (vector<16xf32>, vector<16xf32>, vector<16xi1>) -> (vector<16xi1>, vector<16xf32>, vector<16xf32>)
      %rev3A_483 = arith.constant 15 : i32
      %rev3A_484 = vector.broadcast %rev3A_483 : i32 to vector<16xi32>
      %rev3A_485 = tpu.iota {dimensions = array<i32: 0>} : vector<16xi32>
      %rev3A_486 = arith.subi %rev3A_484, %rev3A_485 : vector<16xi32>
      %rev3A_487 = tpu.dynamic_gather %masked_sort3A_481[%rev3A_486] in [0] : vector<16xf32>, vector<16xi32> -> vector<16xf32>
      %max3A_488 = arith.maximumf %masked_sort3A_459, %rev3A_487 : vector<16xf32>
      %min3A_489 = arith.minimumf %masked_sort3A_459, %rev3A_487 : vector<16xf32>
      %masked_sort3A_490 = arith.constant dense<true> : vector<16xi1>
      %masked_sort3A_491, %masked_sort3A_492, %masked_sort3A_493 = tpu.sort %max3A_488, %max3A_488 masked %masked_sort3A_490 {descending = true} : (vector<16xf32>, vector<16xf32>, vector<16xi1>) -> (vector<16xi1>, vector<16xf32>, vector<16xf32>)
      %masked_sort3A_494 = arith.constant dense<true> : vector<16xi1>
      %masked_sort3A_495, %masked_sort3A_496, %masked_sort3A_497 = tpu.sort %min3A_489, %min3A_489 masked %masked_sort3A_494 {descending = true} : (vector<16xf32>, vector<16xf32>, vector<16xi1>) -> (vector<16xi1>, vector<16xf32>, vector<16xf32>)
      %rev3A_498 = arith.constant 15 : i32
      %rev3A_499 = vector.broadcast %rev3A_498 : i32 to vector<16xi32>
      %rev3A_500 = tpu.iota {dimensions = array<i32: 0>} : vector<16xi32>
      %rev3A_501 = arith.subi %rev3A_499, %rev3A_500 : vector<16xi32>
      %rev3A_502 = tpu.dynamic_gather %masked_sort3A_496[%rev3A_501] in [0] : vector<16xf32>, vector<16xi32> -> vector<16xf32>
      %max3A_503 = arith.maximumf %masked_sort3A_473, %rev3A_502 : vector<16xf32>
      %masked_sort3A_504 = arith.constant dense<true> : vector<16xi1>
      %masked_sort3A_505, %masked_sort3A_506, %masked_sort3A_507 = tpu.sort %max3A_503, %max3A_503 masked %masked_sort3A_504 {descending = true} : (vector<16xf32>, vector<16xf32>, vector<16xi1>) -> (vector<16xi1>, vector<16xf32>, vector<16xf32>)
      %mul3A_508 = arith.constant 16 : i32
      %mul3A_509 = arith.muli %scan3A_14, %mul3A_508 : i32
      %swap3A = arith.index_cast %mul3A_509 : i32 to index
      %swap3A_510 = tpu.vector_load %arg5[%swap3A] {strides = array<i32>} : memref<5120xf32, #tpu.memory_space<vmem>>, vector<16xf32>,
      tpu.vector_store %arg5[%swap3A], %masked_sort3A_506 {strides = array<i32>} : memref<5120xf32, #tpu.memory_space<vmem>>, vector<16xf32>,
    }
    %scan3A_11 = arith.constant 320 : i32
    %mul3A_12 = arith.constant 16 : i32
    %mul3A_13 = arith.muli %mul3A_2, %mul3A_12 : i32
    "tpu.region"() ({
      %run_scoped3A = tpu.sem_alloc : memref<!tpu.dma_semaphore, #tpu.memory_space<semaphore_mem>>
      %dma_start3A_14 = tpu.memref_slice %arg3[%mul3A_13] : memref<163840xf32, #tpu.memory_space<hbm>> -> memref<5120xf32, #tpu.memory_space<hbm>>
      %dma_start3A_15 = tpu.memref_slice %arg3[%mul3A_13] : memref<163840xf32, #tpu.memory_space<hbm>> -> memref<5120xf32, #tpu.memory_space<hbm>>
      tpu.enqueue_dma source(%arg5 : memref<5120xf32, #tpu.memory_space<vmem>>) target(%dma_start3A_15 : memref<5120xf32, #tpu.memory_space<hbm>>) target_semaphore(%run_scoped3A : memref<!tpu.dma_semaphore, #tpu.memory_space<semaphore_mem>>)
      %dma_wait3A_16 = tpu.memref_slice %arg3[%mul3A_13] : memref<163840xf32, #tpu.memory_space<hbm>> -> memref<5120xf32, #tpu.memory_space<hbm>>
      %dma_wait3A_17 = tpu.memref_slice %arg3[%mul3A_13] : memref<163840xf32, #tpu.memory_space<hbm>> -> memref<5120xf32, #tpu.memory_space<hbm>>
      tpu.wait_dma2 semaphore(%run_scoped3A : memref<!tpu.dma_semaphore, #tpu.memory_space<semaphore_mem>>) src(%arg5 : memref<5120xf32, #tpu.memory_space<vmem>>) dst(%dma_wait3A_17 : memref<5120xf32, #tpu.memory_space<hbm>>)
      tpu.yield
    }) : () -> ()
    return
  }
}

module attributes {stable_mosaic.version = 14 : i64} {
  func.func @_cand_kernel(%arg0: i32, %arg1: memref<400x128xf32, #tpu.memory_space<vmem>>, %arg2: memref<10240x128xf32, #tpu.memory_space<vmem>>, %arg3: memref<400x768xf32, #tpu.memory_space<vmem>>) attributes {dimension_semantics = [#tpu.dimension_semantics<parallel>], iteration_bounds = array<i64: 25>, scalar_prefetch = 0 : i64, scratch_operands = 0 : i64, tpu.core_type = #tpu.core_type<tc>, window_params = [{transform_indices = @transform_0, window_bounds = array<i64: 400, 128>}, {pipeline_mode = #tpu.pipeline_mode<synchronous>, transform_indices = @transform_1, window_bounds = array<i64: 10240, 128>}, {transform_indices = @transform_2, window_bounds = array<i64: 400, 768>}]} {
    %get3A = arith.constant 0 : index
    %get3A_0 = arith.constant 0 : index
    %get3A_1 = vector.load %arg1[%get3A, %get3A_0] : memref<400x128xf32, #tpu.memory_space<vmem>>, vector<400x128xf32>
    %get3A_2 = arith.constant 0 : index
    %get3A_3 = arith.constant 0 : index
    %get3A_4 = vector.load %arg2[%get3A_2, %get3A_3] : memref<10240x128xf32, #tpu.memory_space<vmem>>, vector<10240x128xf32>
    %dot_general3A = arith.constant dense<0.000000e+00> : vector<400x10240xf32>
    %dot_general3A_5 = tpu.matmul %get3A_1, %get3A_4, %dot_general3A {dimension_numbers = #tpu.dot_dimension_numbers<[1], [1], [0], [0], [0, 0, 1, 0], [], []>, transpose_lhs_hint = false} : vector<400x128xf32>, vector<10240x128xf32>, vector<400x10240xf32> -> vector<400x10240xf32>
    %slice3A = vector.extract_strided_slice %dot_general3A_5 {offsets = [0, 0], sizes = [400, 640], strides = [1, 1]} : vector<400x10240xf32> to vector<400x640xf32>
    %slice3A_6 = vector.extract_strided_slice %dot_general3A_5 {offsets = [0, 640], sizes = [400, 640], strides = [1, 1]} : vector<400x10240xf32> to vector<400x640xf32>
    %slice3A_7 = vector.extract_strided_slice %dot_general3A_5 {offsets = [0, 1280], sizes = [400, 640], strides = [1, 1]} : vector<400x10240xf32> to vector<400x640xf32>
    %slice3A_8 = vector.extract_strided_slice %dot_general3A_5 {offsets = [0, 1920], sizes = [400, 640], strides = [1, 1]} : vector<400x10240xf32> to vector<400x640xf32>
    %slice3A_9 = vector.extract_strided_slice %dot_general3A_5 {offsets = [0, 2560], sizes = [400, 640], strides = [1, 1]} : vector<400x10240xf32> to vector<400x640xf32>
    %slice3A_10 = vector.extract_strided_slice %dot_general3A_5 {offsets = [0, 3200], sizes = [400, 640], strides = [1, 1]} : vector<400x10240xf32> to vector<400x640xf32>
    %slice3A_11 = vector.extract_strided_slice %dot_general3A_5 {offsets = [0, 3840], sizes = [400, 640], strides = [1, 1]} : vector<400x10240xf32> to vector<400x640xf32>
    %slice3A_12 = vector.extract_strided_slice %dot_general3A_5 {offsets = [0, 4480], sizes = [400, 640], strides = [1, 1]} : vector<400x10240xf32> to vector<400x640xf32>
    %slice3A_13 = vector.extract_strided_slice %dot_general3A_5 {offsets = [0, 5120], sizes = [400, 640], strides = [1, 1]} : vector<400x10240xf32> to vector<400x640xf32>
    %slice3A_14 = vector.extract_strided_slice %dot_general3A_5 {offsets = [0, 5760], sizes = [400, 640], strides = [1, 1]} : vector<400x10240xf32> to vector<400x640xf32>
    %slice3A_15 = vector.extract_strided_slice %dot_general3A_5 {offsets = [0, 6400], sizes = [400, 640], strides = [1, 1]} : vector<400x10240xf32> to vector<400x640xf32>
    %slice3A_16 = vector.extract_strided_slice %dot_general3A_5 {offsets = [0, 7040], sizes = [400, 640], strides = [1, 1]} : vector<400x10240xf32> to vector<400x640xf32>
    %slice3A_17 = vector.extract_strided_slice %dot_general3A_5 {offsets = [0, 7680], sizes = [400, 640], strides = [1, 1]} : vector<400x10240xf32> to vector<400x640xf32>
    %slice3A_18 = vector.extract_strided_slice %dot_general3A_5 {offsets = [0, 8320], sizes = [400, 640], strides = [1, 1]} : vector<400x10240xf32> to vector<400x640xf32>
    %slice3A_19 = vector.extract_strided_slice %dot_general3A_5 {offsets = [0, 8960], sizes = [400, 640], strides = [1, 1]} : vector<400x10240xf32> to vector<400x640xf32>
    %slice3A_20 = vector.extract_strided_slice %dot_general3A_5 {offsets = [0, 9600], sizes = [400, 640], strides = [1, 1]} : vector<400x10240xf32> to vector<400x640xf32>
    %max3A = arith.maximumf %slice3A, %slice3A_6 : vector<400x640xf32>
    %min3A = arith.minimumf %slice3A, %slice3A_6 : vector<400x640xf32>
    %max3A_21 = arith.maximumf %slice3A_7, %slice3A_8 : vector<400x640xf32>
    %min3A_22 = arith.minimumf %slice3A_7, %slice3A_8 : vector<400x640xf32>
    %max3A_23 = arith.maximumf %slice3A_9, %slice3A_10 : vector<400x640xf32>
    %min3A_24 = arith.minimumf %slice3A_9, %slice3A_10 : vector<400x640xf32>
    %max3A_25 = arith.maximumf %slice3A_11, %slice3A_12 : vector<400x640xf32>
    %min3A_26 = arith.minimumf %slice3A_11, %slice3A_12 : vector<400x640xf32>
    %max3A_27 = arith.maximumf %slice3A_13, %slice3A_14 : vector<400x640xf32>
    %min3A_28 = arith.minimumf %slice3A_13, %slice3A_14 : vector<400x640xf32>
    %max3A_29 = arith.maximumf %slice3A_15, %slice3A_16 : vector<400x640xf32>
    %min3A_30 = arith.minimumf %slice3A_15, %slice3A_16 : vector<400x640xf32>
    %max3A_31 = arith.maximumf %slice3A_17, %slice3A_18 : vector<400x640xf32>
    %min3A_32 = arith.minimumf %slice3A_17, %slice3A_18 : vector<400x640xf32>
    %max3A_33 = arith.maximumf %slice3A_19, %slice3A_20 : vector<400x640xf32>
    %min3A_34 = arith.minimumf %slice3A_19, %slice3A_20 : vector<400x640xf32>
    %max3A_35 = arith.maximumf %max3A, %max3A_21 : vector<400x640xf32>
    %min3A_36 = arith.minimumf %max3A, %max3A_21 : vector<400x640xf32>
    %max3A_37 = arith.maximumf %min3A, %min3A_22 : vector<400x640xf32>
    %min3A_38 = arith.minimumf %min3A, %min3A_22 : vector<400x640xf32>
    %max3A_39 = arith.maximumf %min3A_36, %max3A_37 : vector<400x640xf32>
    %min3A_40 = arith.minimumf %min3A_36, %max3A_37 : vector<400x640xf32>
    %max3A_41 = arith.maximumf %max3A_23, %max3A_25 : vector<400x640xf32>
    %min3A_42 = arith.minimumf %max3A_23, %max3A_25 : vector<400x640xf32>
    %max3A_43 = arith.maximumf %min3A_24, %min3A_26 : vector<400x640xf32>
    %min3A_44 = arith.minimumf %min3A_24, %min3A_26 : vector<400x640xf32>
    %max3A_45 = arith.maximumf %min3A_42, %max3A_43 : vector<400x640xf32>
    %min3A_46 = arith.minimumf %min3A_42, %max3A_43 : vector<400x640xf32>
    %max3A_47 = arith.maximumf %max3A_27, %max3A_29 : vector<400x640xf32>
    %min3A_48 = arith.minimumf %max3A_27, %max3A_29 : vector<400x640xf32>
    %max3A_49 = arith.maximumf %min3A_28, %min3A_30 : vector<400x640xf32>
    %min3A_50 = arith.minimumf %min3A_28, %min3A_30 : vector<400x640xf32>
    %max3A_51 = arith.maximumf %min3A_48, %max3A_49 : vector<400x640xf32>
    %min3A_52 = arith.minimumf %min3A_48, %max3A_49 : vector<400x640xf32>
    %max3A_53 = arith.maximumf %max3A_31, %max3A_33 : vector<400x640xf32>
    %min3A_54 = arith.minimumf %max3A_31, %max3A_33 : vector<400x640xf32>
    %max3A_55 = arith.maximumf %min3A_32, %min3A_34 : vector<400x640xf32>
    %min3A_56 = arith.minimumf %min3A_32, %min3A_34 : vector<400x640xf32>
    %max3A_57 = arith.maximumf %min3A_54, %max3A_55 : vector<400x640xf32>
    %min3A_58 = arith.minimumf %min3A_54, %max3A_55 : vector<400x640xf32>
    %max3A_59 = arith.maximumf %max3A_35, %min3A_44 : vector<400x640xf32>
    %max3A_60 = arith.maximumf %max3A_39, %min3A_46 : vector<400x640xf32>
    %max3A_61 = arith.maximumf %min3A_40, %max3A_45 : vector<400x640xf32>
    %max3A_62 = arith.maximumf %min3A_38, %max3A_41 : vector<400x640xf32>
    %max3A_63 = arith.maximumf %max3A_59, %max3A_61 : vector<400x640xf32>
    %min3A_64 = arith.minimumf %max3A_59, %max3A_61 : vector<400x640xf32>
    %max3A_65 = arith.maximumf %max3A_60, %max3A_62 : vector<400x640xf32>
    %min3A_66 = arith.minimumf %max3A_60, %max3A_62 : vector<400x640xf32>
    %max3A_67 = arith.maximumf %max3A_63, %max3A_65 : vector<400x640xf32>
    %min3A_68 = arith.minimumf %max3A_63, %max3A_65 : vector<400x640xf32>
    %max3A_69 = arith.maximumf %min3A_64, %min3A_66 : vector<400x640xf32>
    %min3A_70 = arith.minimumf %min3A_64, %min3A_66 : vector<400x640xf32>
    %max3A_71 = arith.maximumf %max3A_47, %min3A_56 : vector<400x640xf32>
    %max3A_72 = arith.maximumf %max3A_51, %min3A_58 : vector<400x640xf32>
    %max3A_73 = arith.maximumf %min3A_52, %max3A_57 : vector<400x640xf32>
    %max3A_74 = arith.maximumf %min3A_50, %max3A_53 : vector<400x640xf32>
    %max3A_75 = arith.maximumf %max3A_71, %max3A_73 : vector<400x640xf32>
    %min3A_76 = arith.minimumf %max3A_71, %max3A_73 : vector<400x640xf32>
    %max3A_77 = arith.maximumf %max3A_72, %max3A_74 : vector<400x640xf32>
    %min3A_78 = arith.minimumf %max3A_72, %max3A_74 : vector<400x640xf32>
    %max3A_79 = arith.maximumf %max3A_75, %max3A_77 : vector<400x640xf32>
    %min3A_80 = arith.minimumf %max3A_75, %max3A_77 : vector<400x640xf32>
    %max3A_81 = arith.maximumf %min3A_76, %min3A_78 : vector<400x640xf32>
    %min3A_82 = arith.minimumf %min3A_76, %min3A_78 : vector<400x640xf32>
    %max3A_83 = arith.maximumf %max3A_67, %min3A_82 : vector<400x640xf32>
    %max3A_84 = arith.maximumf %min3A_68, %max3A_81 : vector<400x640xf32>
    %max3A_85 = arith.maximumf %max3A_69, %min3A_80 : vector<400x640xf32>
    %max3A_86 = arith.maximumf %min3A_70, %max3A_79 : vector<400x640xf32>
    %concatenate3A = tpu.concatenate %max3A_83, %max3A_84, %max3A_85, %max3A_86 in 1 : vector<400x640xf32>, vector<400x640xf32>, vector<400x640xf32>, vector<400x640xf32> -> vector<400x2560xf32>
    %slice3A_87 = vector.extract_strided_slice %concatenate3A {offsets = [0, 0], sizes = [400, 128], strides = [1, 1]} : vector<400x2560xf32> to vector<400x128xf32>
    %slice3A_88 = vector.extract_strided_slice %concatenate3A {offsets = [0, 128], sizes = [400, 128], strides = [1, 1]} : vector<400x2560xf32> to vector<400x128xf32>
    %slice3A_89 = vector.extract_strided_slice %concatenate3A {offsets = [0, 256], sizes = [400, 128], strides = [1, 1]} : vector<400x2560xf32> to vector<400x128xf32>
    %slice3A_90 = vector.extract_strided_slice %concatenate3A {offsets = [0, 384], sizes = [400, 128], strides = [1, 1]} : vector<400x2560xf32> to vector<400x128xf32>
    %slice3A_91 = vector.extract_strided_slice %concatenate3A {offsets = [0, 512], sizes = [400, 128], strides = [1, 1]} : vector<400x2560xf32> to vector<400x128xf32>
    %slice3A_92 = vector.extract_strided_slice %concatenate3A {offsets = [0, 640], sizes = [400, 128], strides = [1, 1]} : vector<400x2560xf32> to vector<400x128xf32>
    %slice3A_93 = vector.extract_strided_slice %concatenate3A {offsets = [0, 768], sizes = [400, 128], strides = [1, 1]} : vector<400x2560xf32> to vector<400x128xf32>
    %slice3A_94 = vector.extract_strided_slice %concatenate3A {offsets = [0, 896], sizes = [400, 128], strides = [1, 1]} : vector<400x2560xf32> to vector<400x128xf32>
    %slice3A_95 = vector.extract_strided_slice %concatenate3A {offsets = [0, 1024], sizes = [400, 128], strides = [1, 1]} : vector<400x2560xf32> to vector<400x128xf32>
    %slice3A_96 = vector.extract_strided_slice %concatenate3A {offsets = [0, 1152], sizes = [400, 128], strides = [1, 1]} : vector<400x2560xf32> to vector<400x128xf32>
    %slice3A_97 = vector.extract_strided_slice %concatenate3A {offsets = [0, 1280], sizes = [400, 128], strides = [1, 1]} : vector<400x2560xf32> to vector<400x128xf32>
    %slice3A_98 = vector.extract_strided_slice %concatenate3A {offsets = [0, 1408], sizes = [400, 128], strides = [1, 1]} : vector<400x2560xf32> to vector<400x128xf32>
    %slice3A_99 = vector.extract_strided_slice %concatenate3A {offsets = [0, 1536], sizes = [400, 128], strides = [1, 1]} : vector<400x2560xf32> to vector<400x128xf32>
    %slice3A_100 = vector.extract_strided_slice %concatenate3A {offsets = [0, 1664], sizes = [400, 128], strides = [1, 1]} : vector<400x2560xf32> to vector<400x128xf32>
    %slice3A_101 = vector.extract_strided_slice %concatenate3A {offsets = [0, 1792], sizes = [400, 128], strides = [1, 1]} : vector<400x2560xf32> to vector<400x128xf32>
    %slice3A_102 = vector.extract_strided_slice %concatenate3A {offsets = [0, 1920], sizes = [400, 128], strides = [1, 1]} : vector<400x2560xf32> to vector<400x128xf32>
    %slice3A_103 = vector.extract_strided_slice %concatenate3A {offsets = [0, 2048], sizes = [400, 128], strides = [1, 1]} : vector<400x2560xf32> to vector<400x128xf32>
    %slice3A_104 = vector.extract_strided_slice %concatenate3A {offsets = [0, 2176], sizes = [400, 128], strides = [1, 1]} : vector<400x2560xf32> to vector<400x128xf32>
    %slice3A_105 = vector.extract_strided_slice %concatenate3A {offsets = [0, 2304], sizes = [400, 128], strides = [1, 1]} : vector<400x2560xf32> to vector<400x128xf32>
    %slice3A_106 = vector.extract_strided_slice %concatenate3A {offsets = [0, 2432], sizes = [400, 128], strides = [1, 1]} : vector<400x2560xf32> to vector<400x128xf32>
    %broadcast_in_dim3A = arith.constant -3.000000e+38 : f32
    %broadcast_in_dim3A_107 = vector.broadcast %broadcast_in_dim3A : f32 to vector<400x128xf32>
    %max3A_108 = arith.maximumf %slice3A_87, %slice3A_88 : vector<400x128xf32>
    %min3A_109 = arith.minimumf %slice3A_87, %slice3A_88 : vector<400x128xf32>
    %max3A_110 = arith.maximumf %slice3A_89, %slice3A_90 : vector<400x128xf32>
    %min3A_111 = arith.minimumf %slice3A_89, %slice3A_90 : vector<400x128xf32>
    %max3A_112 = arith.maximumf %max3A_108, %max3A_110 : vector<400x128xf32>
    %min3A_113 = arith.minimumf %max3A_108, %max3A_110 : vector<400x128xf32>
    %max3A_114 = arith.maximumf %min3A_109, %min3A_111 : vector<400x128xf32>
    %min3A_115 = arith.minimumf %min3A_109, %min3A_111 : vector<400x128xf32>
    %max3A_116 = arith.maximumf %min3A_113, %max3A_114 : vector<400x128xf32>
    %min3A_117 = arith.minimumf %min3A_113, %max3A_114 : vector<400x128xf32>
    %max3A_118 = arith.maximumf %slice3A_91, %slice3A_92 : vector<400x128xf32>
    %min3A_119 = arith.minimumf %slice3A_91, %slice3A_92 : vector<400x128xf32>
    %max3A_120 = arith.maximumf %slice3A_93, %slice3A_94 : vector<400x128xf32>
    %min3A_121 = arith.minimumf %slice3A_93, %slice3A_94 : vector<400x128xf32>
    %max3A_122 = arith.maximumf %max3A_118, %max3A_120 : vector<400x128xf32>
    %min3A_123 = arith.minimumf %max3A_118, %max3A_120 : vector<400x128xf32>
    %max3A_124 = arith.maximumf %min3A_119, %min3A_121 : vector<400x128xf32>
    %min3A_125 = arith.minimumf %min3A_119, %min3A_121 : vector<400x128xf32>
    %max3A_126 = arith.maximumf %min3A_123, %max3A_124 : vector<400x128xf32>
    %min3A_127 = arith.minimumf %min3A_123, %max3A_124 : vector<400x128xf32>
    %max3A_128 = arith.maximumf %slice3A_95, %slice3A_96 : vector<400x128xf32>
    %min3A_129 = arith.minimumf %slice3A_95, %slice3A_96 : vector<400x128xf32>
    %max3A_130 = arith.maximumf %slice3A_97, %slice3A_98 : vector<400x128xf32>
    %min3A_131 = arith.minimumf %slice3A_97, %slice3A_98 : vector<400x128xf32>
    %max3A_132 = arith.maximumf %max3A_128, %max3A_130 : vector<400x128xf32>
    %min3A_133 = arith.minimumf %max3A_128, %max3A_130 : vector<400x128xf32>
    %max3A_134 = arith.maximumf %min3A_129, %min3A_131 : vector<400x128xf32>
    %min3A_135 = arith.minimumf %min3A_129, %min3A_131 : vector<400x128xf32>
    %max3A_136 = arith.maximumf %min3A_133, %max3A_134 : vector<400x128xf32>
    %min3A_137 = arith.minimumf %min3A_133, %max3A_134 : vector<400x128xf32>
    %max3A_138 = arith.maximumf %slice3A_99, %slice3A_100 : vector<400x128xf32>
    %min3A_139 = arith.minimumf %slice3A_99, %slice3A_100 : vector<400x128xf32>
    %max3A_140 = arith.maximumf %slice3A_101, %slice3A_102 : vector<400x128xf32>
    %min3A_141 = arith.minimumf %slice3A_101, %slice3A_102 : vector<400x128xf32>
    %max3A_142 = arith.maximumf %max3A_138, %max3A_140 : vector<400x128xf32>
    %min3A_143 = arith.minimumf %max3A_138, %max3A_140 : vector<400x128xf32>
    %max3A_144 = arith.maximumf %min3A_139, %min3A_141 : vector<400x128xf32>
    %min3A_145 = arith.minimumf %min3A_139, %min3A_141 : vector<400x128xf32>
    %max3A_146 = arith.maximumf %min3A_143, %max3A_144 : vector<400x128xf32>
    %min3A_147 = arith.minimumf %min3A_143, %max3A_144 : vector<400x128xf32>
    %max3A_148 = arith.maximumf %slice3A_103, %slice3A_104 : vector<400x128xf32>
    %min3A_149 = arith.minimumf %slice3A_103, %slice3A_104 : vector<400x128xf32>
    %max3A_150 = arith.maximumf %slice3A_105, %slice3A_106 : vector<400x128xf32>
    %min3A_151 = arith.minimumf %slice3A_105, %slice3A_106 : vector<400x128xf32>
    %max3A_152 = arith.maximumf %max3A_148, %max3A_150 : vector<400x128xf32>
    %min3A_153 = arith.minimumf %max3A_148, %max3A_150 : vector<400x128xf32>
    %max3A_154 = arith.maximumf %min3A_149, %min3A_151 : vector<400x128xf32>
    %min3A_155 = arith.minimumf %min3A_149, %min3A_151 : vector<400x128xf32>
    %max3A_156 = arith.maximumf %min3A_153, %max3A_154 : vector<400x128xf32>
    %min3A_157 = arith.minimumf %min3A_153, %max3A_154 : vector<400x128xf32>
    %max3A_158 = arith.maximumf %max3A_112, %min3A_125 : vector<400x128xf32>
    %min3A_159 = arith.minimumf %max3A_112, %min3A_125 : vector<400x128xf32>
    %max3A_160 = arith.maximumf %max3A_116, %min3A_127 : vector<400x128xf32>
    %min3A_161 = arith.minimumf %max3A_116, %min3A_127 : vector<400x128xf32>
    %max3A_162 = arith.maximumf %min3A_117, %max3A_126 : vector<400x128xf32>
    %min3A_163 = arith.minimumf %min3A_117, %max3A_126 : vector<400x128xf32>
    %max3A_164 = arith.maximumf %min3A_115, %max3A_122 : vector<400x128xf32>
    %min3A_165 = arith.minimumf %min3A_115, %max3A_122 : vector<400x128xf32>
    %max3A_166 = arith.maximumf %max3A_158, %max3A_162 : vector<400x128xf32>
    %min3A_167 = arith.minimumf %max3A_158, %max3A_162 : vector<400x128xf32>
    %max3A_168 = arith.maximumf %max3A_160, %max3A_164 : vector<400x128xf32>
    %min3A_169 = arith.minimumf %max3A_160, %max3A_164 : vector<400x128xf32>
    %max3A_170 = arith.maximumf %min3A_159, %min3A_163 : vector<400x128xf32>
    %min3A_171 = arith.minimumf %min3A_159, %min3A_163 : vector<400x128xf32>
    %max3A_172 = arith.maximumf %min3A_161, %min3A_165 : vector<400x128xf32>
    %min3A_173 = arith.minimumf %min3A_161, %min3A_165 : vector<400x128xf32>
    %max3A_174 = arith.maximumf %max3A_166, %max3A_168 : vector<400x128xf32>
    %min3A_175 = arith.minimumf %max3A_166, %max3A_168 : vector<400x128xf32>
    %max3A_176 = arith.maximumf %min3A_167, %min3A_169 : vector<400x128xf32>
    %min3A_177 = arith.minimumf %min3A_167, %min3A_169 : vector<400x128xf32>
    %max3A_178 = arith.maximumf %max3A_170, %max3A_172 : vector<400x128xf32>
    %min3A_179 = arith.minimumf %max3A_170, %max3A_172 : vector<400x128xf32>
    %max3A_180 = arith.maximumf %min3A_171, %min3A_173 : vector<400x128xf32>
    %min3A_181 = arith.minimumf %min3A_171, %min3A_173 : vector<400x128xf32>
    %max3A_182 = arith.maximumf %max3A_132, %min3A_145 : vector<400x128xf32>
    %min3A_183 = arith.minimumf %max3A_132, %min3A_145 : vector<400x128xf32>
    %max3A_184 = arith.maximumf %max3A_136, %min3A_147 : vector<400x128xf32>
    %min3A_185 = arith.minimumf %max3A_136, %min3A_147 : vector<400x128xf32>
    %max3A_186 = arith.maximumf %min3A_137, %max3A_146 : vector<400x128xf32>
    %min3A_187 = arith.minimumf %min3A_137, %max3A_146 : vector<400x128xf32>
    %max3A_188 = arith.maximumf %min3A_135, %max3A_142 : vector<400x128xf32>
    %min3A_189 = arith.minimumf %min3A_135, %max3A_142 : vector<400x128xf32>
    %max3A_190 = arith.maximumf %max3A_182, %max3A_186 : vector<400x128xf32>
    %min3A_191 = arith.minimumf %max3A_182, %max3A_186 : vector<400x128xf32>
    %max3A_192 = arith.maximumf %max3A_184, %max3A_188 : vector<400x128xf32>
    %min3A_193 = arith.minimumf %max3A_184, %max3A_188 : vector<400x128xf32>
    %max3A_194 = arith.maximumf %min3A_183, %min3A_187 : vector<400x128xf32>
    %min3A_195 = arith.minimumf %min3A_183, %min3A_187 : vector<400x128xf32>
    %max3A_196 = arith.maximumf %min3A_185, %min3A_189 : vector<400x128xf32>
    %min3A_197 = arith.minimumf %min3A_185, %min3A_189 : vector<400x128xf32>
    %max3A_198 = arith.maximumf %max3A_190, %max3A_192 : vector<400x128xf32>
    %min3A_199 = arith.minimumf %max3A_190, %max3A_192 : vector<400x128xf32>
    %max3A_200 = arith.maximumf %min3A_191, %min3A_193 : vector<400x128xf32>
    %min3A_201 = arith.minimumf %min3A_191, %min3A_193 : vector<400x128xf32>
    %max3A_202 = arith.maximumf %max3A_194, %max3A_196 : vector<400x128xf32>
    %min3A_203 = arith.minimumf %max3A_194, %max3A_196 : vector<400x128xf32>
    %max3A_204 = arith.maximumf %min3A_195, %min3A_197 : vector<400x128xf32>
    %min3A_205 = arith.minimumf %min3A_195, %min3A_197 : vector<400x128xf32>
    %max3A_206 = arith.maximumf %max3A_174, %min3A_205 : vector<400x128xf32>
    %max3A_207 = arith.maximumf %min3A_175, %max3A_204 : vector<400x128xf32>
    %max3A_208 = arith.maximumf %max3A_176, %min3A_203 : vector<400x128xf32>
    %max3A_209 = arith.maximumf %min3A_177, %max3A_202 : vector<400x128xf32>
    %max3A_210 = arith.maximumf %max3A_178, %min3A_201 : vector<400x128xf32>
    %max3A_211 = arith.maximumf %min3A_179, %max3A_200 : vector<400x128xf32>
    %max3A_212 = arith.maximumf %max3A_180, %min3A_199 : vector<400x128xf32>
    %max3A_213 = arith.maximumf %min3A_181, %max3A_198 : vector<400x128xf32>
    %max3A_214 = arith.maximumf %max3A_206, %max3A_210 : vector<400x128xf32>
    %min3A_215 = arith.minimumf %max3A_206, %max3A_210 : vector<400x128xf32>
    %max3A_216 = arith.maximumf %max3A_207, %max3A_211 : vector<400x128xf32>
    %min3A_217 = arith.minimumf %max3A_207, %max3A_211 : vector<400x128xf32>
    %max3A_218 = arith.maximumf %max3A_208, %max3A_212 : vector<400x128xf32>
    %min3A_219 = arith.minimumf %max3A_208, %max3A_212 : vector<400x128xf32>
    %max3A_220 = arith.maximumf %max3A_209, %max3A_213 : vector<400x128xf32>
    %min3A_221 = arith.minimumf %max3A_209, %max3A_213 : vector<400x128xf32>
    %max3A_222 = arith.maximumf %max3A_214, %max3A_218 : vector<400x128xf32>
    %min3A_223 = arith.minimumf %max3A_214, %max3A_218 : vector<400x128xf32>
    %max3A_224 = arith.maximumf %max3A_216, %max3A_220 : vector<400x128xf32>
    %min3A_225 = arith.minimumf %max3A_216, %max3A_220 : vector<400x128xf32>
    %max3A_226 = arith.maximumf %min3A_215, %min3A_219 : vector<400x128xf32>
    %min3A_227 = arith.minimumf %min3A_215, %min3A_219 : vector<400x128xf32>
    %max3A_228 = arith.maximumf %min3A_217, %min3A_221 : vector<400x128xf32>
    %min3A_229 = arith.minimumf %min3A_217, %min3A_221 : vector<400x128xf32>
    %max3A_230 = arith.maximumf %max3A_222, %max3A_224 : vector<400x128xf32>
    %min3A_231 = arith.minimumf %max3A_222, %max3A_224 : vector<400x128xf32>
    %max3A_232 = arith.maximumf %min3A_223, %min3A_225 : vector<400x128xf32>
    %min3A_233 = arith.minimumf %min3A_223, %min3A_225 : vector<400x128xf32>
    %max3A_234 = arith.maximumf %max3A_226, %max3A_228 : vector<400x128xf32>
    %min3A_235 = arith.minimumf %max3A_226, %max3A_228 : vector<400x128xf32>
    %max3A_236 = arith.maximumf %min3A_227, %min3A_229 : vector<400x128xf32>
    %min3A_237 = arith.minimumf %min3A_227, %min3A_229 : vector<400x128xf32>
    %max3A_238 = arith.maximumf %max3A_230, %broadcast_in_dim3A_107 : vector<400x128xf32>
    %max3A_239 = arith.maximumf %min3A_231, %broadcast_in_dim3A_107 : vector<400x128xf32>
    %max3A_240 = arith.maximumf %max3A_232, %broadcast_in_dim3A_107 : vector<400x128xf32>
    %max3A_241 = arith.maximumf %min3A_233, %broadcast_in_dim3A_107 : vector<400x128xf32>
    %max3A_242 = arith.maximumf %max3A_234, %min3A_155 : vector<400x128xf32>
    %max3A_243 = arith.maximumf %min3A_235, %min3A_157 : vector<400x128xf32>
    %max3A_244 = arith.maximumf %max3A_236, %max3A_156 : vector<400x128xf32>
    %max3A_245 = arith.maximumf %min3A_237, %max3A_152 : vector<400x128xf32>
    %max3A_246 = arith.maximumf %max3A_238, %max3A_242 : vector<400x128xf32>
    %min3A_247 = arith.minimumf %max3A_238, %max3A_242 : vector<400x128xf32>
    %max3A_248 = arith.maximumf %max3A_239, %max3A_243 : vector<400x128xf32>
    %min3A_249 = arith.minimumf %max3A_239, %max3A_243 : vector<400x128xf32>
    %max3A_250 = arith.maximumf %max3A_240, %max3A_244 : vector<400x128xf32>
    %min3A_251 = arith.minimumf %max3A_240, %max3A_244 : vector<400x128xf32>
    %max3A_252 = arith.maximumf %max3A_241, %max3A_245 : vector<400x128xf32>
    %min3A_253 = arith.minimumf %max3A_241, %max3A_245 : vector<400x128xf32>
    %max3A_254 = arith.maximumf %max3A_246, %max3A_250 : vector<400x128xf32>
    %min3A_255 = arith.minimumf %max3A_246, %max3A_250 : vector<400x128xf32>
    %max3A_256 = arith.maximumf %max3A_248, %max3A_252 : vector<400x128xf32>
    %min3A_257 = arith.minimumf %max3A_248, %max3A_252 : vector<400x128xf32>
    %max3A_258 = arith.maximumf %min3A_247, %min3A_251 : vector<400x128xf32>
    %max3A_259 = arith.maximumf %min3A_249, %min3A_253 : vector<400x128xf32>
    %max3A_260 = arith.maximumf %max3A_254, %max3A_256 : vector<400x128xf32>
    %min3A_261 = arith.minimumf %max3A_254, %max3A_256 : vector<400x128xf32>
    %max3A_262 = arith.maximumf %min3A_255, %min3A_257 : vector<400x128xf32>
    %min3A_263 = arith.minimumf %min3A_255, %min3A_257 : vector<400x128xf32>
    %max3A_264 = arith.maximumf %max3A_258, %max3A_259 : vector<400x128xf32>
    %min3A_265 = arith.minimumf %max3A_258, %max3A_259 : vector<400x128xf32>
    %concatenate3A_266 = tpu.concatenate %max3A_260, %min3A_261, %max3A_262, %min3A_263, %max3A_264, %min3A_265 in 1 : vector<400x128xf32>, vector<400x128xf32>, vector<400x128xf32>, vector<400x128xf32>, vector<400x128xf32>, vector<400x128xf32> -> vector<400x768xf32>
    %swap3A = arith.constant 0 : index
    %swap3A_267 = arith.constant 0 : index
    %swap3A_268 = vector.load %arg3[%swap3A, %swap3A_267] : memref<400x768xf32, #tpu.memory_space<vmem>>, vector<400x768xf32>
    tpu.vector_store %arg3[%swap3A, %swap3A_267], %concatenate3A_266 {strides = array<i32>} : memref<400x768xf32, #tpu.memory_space<vmem>>, vector<400x768xf32>,
    return
  }
  func.func @transform_0(%arg0: i32) -> (i32, i32) {
    %c0_i32 = arith.constant 0 : i32
    %c0_i32_0 = arith.constant 0 : i32
    return %arg0, %c0_i32 : i32, i32
  }
  func.func @transform_1(%arg0: i32) -> (i32, i32) {
    %c0_i32 = arith.constant 0 : i32
    %c0_i32_0 = arith.constant 0 : i32
    %c0_i32_1 = arith.constant 0 : i32
    return %c0_i32, %c0_i32_0 : i32, i32
  }
  func.func @transform_2(%arg0: i32) -> (i32, i32) {
    %c0_i32 = arith.constant 0 : i32
    %c0_i32_0 = arith.constant 0 : i32
    return %arg0, %c0_i32 : i32, i32
  }
}

module attributes {stable_mosaic.version = 14 : i64} {
  func.func @_fold_kernel(%arg0: i32, %arg1: memref<2000x768xf32, #tpu.memory_space<vmem>>, %arg2: memref<2000x256xf32, #tpu.memory_space<vmem>>) attributes {dimension_semantics = [#tpu.dimension_semantics<parallel>], iteration_bounds = array<i64: 5>, scalar_prefetch = 0 : i64, scratch_operands = 0 : i64, tpu.core_type = #tpu.core_type<tc>, window_params = [{transform_indices = @transform_0, window_bounds = array<i64: 2000, 768>}, {transform_indices = @transform_1, window_bounds = array<i64: 2000, 256>}]} {
    %get3A = arith.constant 0 : index
    %get3A_0 = arith.constant 0 : index
    %get3A_1 = vector.load %arg1[%get3A, %get3A_0] : memref<2000x768xf32, #tpu.memory_space<vmem>>, vector<2000x768xf32>
    %slice3A = vector.extract_strided_slice %get3A_1 {offsets = [0, 0], sizes = [2000, 32], strides = [1, 1]} : vector<2000x768xf32> to vector<2000x32xf32>
    %slice3A_2 = vector.extract_strided_slice %get3A_1 {offsets = [0, 32], sizes = [2000, 32], strides = [1, 1]} : vector<2000x768xf32> to vector<2000x32xf32>
    %slice3A_3 = vector.extract_strided_slice %get3A_1 {offsets = [0, 64], sizes = [2000, 32], strides = [1, 1]} : vector<2000x768xf32> to vector<2000x32xf32>
    %slice3A_4 = vector.extract_strided_slice %get3A_1 {offsets = [0, 96], sizes = [2000, 32], strides = [1, 1]} : vector<2000x768xf32> to vector<2000x32xf32>
    %slice3A_5 = vector.extract_strided_slice %get3A_1 {offsets = [0, 128], sizes = [2000, 32], strides = [1, 1]} : vector<2000x768xf32> to vector<2000x32xf32>
    %slice3A_6 = vector.extract_strided_slice %get3A_1 {offsets = [0, 160], sizes = [2000, 32], strides = [1, 1]} : vector<2000x768xf32> to vector<2000x32xf32>
    %slice3A_7 = vector.extract_strided_slice %get3A_1 {offsets = [0, 192], sizes = [2000, 32], strides = [1, 1]} : vector<2000x768xf32> to vector<2000x32xf32>
    %slice3A_8 = vector.extract_strided_slice %get3A_1 {offsets = [0, 224], sizes = [2000, 32], strides = [1, 1]} : vector<2000x768xf32> to vector<2000x32xf32>
    %slice3A_9 = vector.extract_strided_slice %get3A_1 {offsets = [0, 256], sizes = [2000, 32], strides = [1, 1]} : vector<2000x768xf32> to vector<2000x32xf32>
    %slice3A_10 = vector.extract_strided_slice %get3A_1 {offsets = [0, 288], sizes = [2000, 32], strides = [1, 1]} : vector<2000x768xf32> to vector<2000x32xf32>
    %slice3A_11 = vector.extract_strided_slice %get3A_1 {offsets = [0, 320], sizes = [2000, 32], strides = [1, 1]} : vector<2000x768xf32> to vector<2000x32xf32>
    %slice3A_12 = vector.extract_strided_slice %get3A_1 {offsets = [0, 352], sizes = [2000, 32], strides = [1, 1]} : vector<2000x768xf32> to vector<2000x32xf32>
    %slice3A_13 = vector.extract_strided_slice %get3A_1 {offsets = [0, 384], sizes = [2000, 32], strides = [1, 1]} : vector<2000x768xf32> to vector<2000x32xf32>
    %slice3A_14 = vector.extract_strided_slice %get3A_1 {offsets = [0, 416], sizes = [2000, 32], strides = [1, 1]} : vector<2000x768xf32> to vector<2000x32xf32>
    %slice3A_15 = vector.extract_strided_slice %get3A_1 {offsets = [0, 448], sizes = [2000, 32], strides = [1, 1]} : vector<2000x768xf32> to vector<2000x32xf32>
    %slice3A_16 = vector.extract_strided_slice %get3A_1 {offsets = [0, 480], sizes = [2000, 32], strides = [1, 1]} : vector<2000x768xf32> to vector<2000x32xf32>
    %slice3A_17 = vector.extract_strided_slice %get3A_1 {offsets = [0, 512], sizes = [2000, 32], strides = [1, 1]} : vector<2000x768xf32> to vector<2000x32xf32>
    %slice3A_18 = vector.extract_strided_slice %get3A_1 {offsets = [0, 544], sizes = [2000, 32], strides = [1, 1]} : vector<2000x768xf32> to vector<2000x32xf32>
    %slice3A_19 = vector.extract_strided_slice %get3A_1 {offsets = [0, 576], sizes = [2000, 32], strides = [1, 1]} : vector<2000x768xf32> to vector<2000x32xf32>
    %slice3A_20 = vector.extract_strided_slice %get3A_1 {offsets = [0, 608], sizes = [2000, 32], strides = [1, 1]} : vector<2000x768xf32> to vector<2000x32xf32>
    %slice3A_21 = vector.extract_strided_slice %get3A_1 {offsets = [0, 640], sizes = [2000, 32], strides = [1, 1]} : vector<2000x768xf32> to vector<2000x32xf32>
    %slice3A_22 = vector.extract_strided_slice %get3A_1 {offsets = [0, 672], sizes = [2000, 32], strides = [1, 1]} : vector<2000x768xf32> to vector<2000x32xf32>
    %slice3A_23 = vector.extract_strided_slice %get3A_1 {offsets = [0, 704], sizes = [2000, 32], strides = [1, 1]} : vector<2000x768xf32> to vector<2000x32xf32>
    %slice3A_24 = vector.extract_strided_slice %get3A_1 {offsets = [0, 736], sizes = [2000, 32], strides = [1, 1]} : vector<2000x768xf32> to vector<2000x32xf32>
    %max3A = arith.maximumf %slice3A, %slice3A_2 : vector<2000x32xf32>
    %min3A = arith.minimumf %slice3A, %slice3A_2 : vector<2000x32xf32>
    %max3A_25 = arith.maximumf %slice3A_3, %slice3A_4 : vector<2000x32xf32>
    %min3A_26 = arith.minimumf %slice3A_3, %slice3A_4 : vector<2000x32xf32>
    %max3A_27 = arith.maximumf %max3A, %max3A_25 : vector<2000x32xf32>
    %min3A_28 = arith.minimumf %max3A, %max3A_25 : vector<2000x32xf32>
    %max3A_29 = arith.maximumf %min3A, %min3A_26 : vector<2000x32xf32>
    %min3A_30 = arith.minimumf %min3A, %min3A_26 : vector<2000x32xf32>
    %max3A_31 = arith.maximumf %min3A_28, %max3A_29 : vector<2000x32xf32>
    %min3A_32 = arith.minimumf %min3A_28, %max3A_29 : vector<2000x32xf32>
    %max3A_33 = arith.maximumf %slice3A_5, %slice3A_6 : vector<2000x32xf32>
    %min3A_34 = arith.minimumf %slice3A_5, %slice3A_6 : vector<2000x32xf32>
    %max3A_35 = arith.maximumf %slice3A_7, %slice3A_8 : vector<2000x32xf32>
    %min3A_36 = arith.minimumf %slice3A_7, %slice3A_8 : vector<2000x32xf32>
    %max3A_37 = arith.maximumf %max3A_33, %max3A_35 : vector<2000x32xf32>
    %min3A_38 = arith.minimumf %max3A_33, %max3A_35 : vector<2000x32xf32>
    %max3A_39 = arith.maximumf %min3A_34, %min3A_36 : vector<2000x32xf32>
    %min3A_40 = arith.minimumf %min3A_34, %min3A_36 : vector<2000x32xf32>
    %max3A_41 = arith.maximumf %min3A_38, %max3A_39 : vector<2000x32xf32>
    %min3A_42 = arith.minimumf %min3A_38, %max3A_39 : vector<2000x32xf32>
    %max3A_43 = arith.maximumf %slice3A_9, %slice3A_10 : vector<2000x32xf32>
    %min3A_44 = arith.minimumf %slice3A_9, %slice3A_10 : vector<2000x32xf32>
    %max3A_45 = arith.maximumf %slice3A_11, %slice3A_12 : vector<2000x32xf32>
    %min3A_46 = arith.minimumf %slice3A_11, %slice3A_12 : vector<2000x32xf32>
    %max3A_47 = arith.maximumf %max3A_43, %max3A_45 : vector<2000x32xf32>
    %min3A_48 = arith.minimumf %max3A_43, %max3A_45 : vector<2000x32xf32>
    %max3A_49 = arith.maximumf %min3A_44, %min3A_46 : vector<2000x32xf32>
    %min3A_50 = arith.minimumf %min3A_44, %min3A_46 : vector<2000x32xf32>
    %max3A_51 = arith.maximumf %min3A_48, %max3A_49 : vector<2000x32xf32>
    %min3A_52 = arith.minimumf %min3A_48, %max3A_49 : vector<2000x32xf32>
    %max3A_53 = arith.maximumf %slice3A_13, %slice3A_14 : vector<2000x32xf32>
    %min3A_54 = arith.minimumf %slice3A_13, %slice3A_14 : vector<2000x32xf32>
    %max3A_55 = arith.maximumf %slice3A_15, %slice3A_16 : vector<2000x32xf32>
    %min3A_56 = arith.minimumf %slice3A_15, %slice3A_16 : vector<2000x32xf32>
    %max3A_57 = arith.maximumf %max3A_53, %max3A_55 : vector<2000x32xf32>
    %min3A_58 = arith.minimumf %max3A_53, %max3A_55 : vector<2000x32xf32>
    %max3A_59 = arith.maximumf %min3A_54, %min3A_56 : vector<2000x32xf32>
    %min3A_60 = arith.minimumf %min3A_54, %min3A_56 : vector<2000x32xf32>
    %max3A_61 = arith.maximumf %min3A_58, %max3A_59 : vector<2000x32xf32>
    %min3A_62 = arith.minimumf %min3A_58, %max3A_59 : vector<2000x32xf32>
    %max3A_63 = arith.maximumf %slice3A_17, %slice3A_18 : vector<2000x32xf32>
    %min3A_64 = arith.minimumf %slice3A_17, %slice3A_18 : vector<2000x32xf32>
    %max3A_65 = arith.maximumf %slice3A_19, %slice3A_20 : vector<2000x32xf32>
    %min3A_66 = arith.minimumf %slice3A_19, %slice3A_20 : vector<2000x32xf32>
    %max3A_67 = arith.maximumf %max3A_63, %max3A_65 : vector<2000x32xf32>
    %min3A_68 = arith.minimumf %max3A_63, %max3A_65 : vector<2000x32xf32>
    %max3A_69 = arith.maximumf %min3A_64, %min3A_66 : vector<2000x32xf32>
    %min3A_70 = arith.minimumf %min3A_64, %min3A_66 : vector<2000x32xf32>
    %max3A_71 = arith.maximumf %min3A_68, %max3A_69 : vector<2000x32xf32>
    %min3A_72 = arith.minimumf %min3A_68, %max3A_69 : vector<2000x32xf32>
    %max3A_73 = arith.maximumf %slice3A_21, %slice3A_22 : vector<2000x32xf32>
    %min3A_74 = arith.minimumf %slice3A_21, %slice3A_22 : vector<2000x32xf32>
    %max3A_75 = arith.maximumf %slice3A_23, %slice3A_24 : vector<2000x32xf32>
    %min3A_76 = arith.minimumf %slice3A_23, %slice3A_24 : vector<2000x32xf32>
    %max3A_77 = arith.maximumf %max3A_73, %max3A_75 : vector<2000x32xf32>
    %min3A_78 = arith.minimumf %max3A_73, %max3A_75 : vector<2000x32xf32>
    %max3A_79 = arith.maximumf %min3A_74, %min3A_76 : vector<2000x32xf32>
    %min3A_80 = arith.minimumf %min3A_74, %min3A_76 : vector<2000x32xf32>
    %max3A_81 = arith.maximumf %min3A_78, %max3A_79 : vector<2000x32xf32>
    %min3A_82 = arith.minimumf %min3A_78, %max3A_79 : vector<2000x32xf32>
    %max3A_83 = arith.maximumf %max3A_27, %min3A_40 : vector<2000x32xf32>
    %min3A_84 = arith.minimumf %max3A_27, %min3A_40 : vector<2000x32xf32>
    %max3A_85 = arith.maximumf %max3A_31, %min3A_42 : vector<2000x32xf32>
    %min3A_86 = arith.minimumf %max3A_31, %min3A_42 : vector<2000x32xf32>
    %max3A_87 = arith.maximumf %min3A_32, %max3A_41 : vector<2000x32xf32>
    %min3A_88 = arith.minimumf %min3A_32, %max3A_41 : vector<2000x32xf32>
    %max3A_89 = arith.maximumf %min3A_30, %max3A_37 : vector<2000x32xf32>
    %min3A_90 = arith.minimumf %min3A_30, %max3A_37 : vector<2000x32xf32>
    %max3A_91 = arith.maximumf %max3A_83, %max3A_87 : vector<2000x32xf32>
    %min3A_92 = arith.minimumf %max3A_83, %max3A_87 : vector<2000x32xf32>
    %max3A_93 = arith.maximumf %max3A_85, %max3A_89 : vector<2000x32xf32>
    %min3A_94 = arith.minimumf %max3A_85, %max3A_89 : vector<2000x32xf32>
    %max3A_95 = arith.maximumf %min3A_84, %min3A_88 : vector<2000x32xf32>
    %min3A_96 = arith.minimumf %min3A_84, %min3A_88 : vector<2000x32xf32>
    %max3A_97 = arith.maximumf %min3A_86, %min3A_90 : vector<2000x32xf32>
    %min3A_98 = arith.minimumf %min3A_86, %min3A_90 : vector<2000x32xf32>
    %max3A_99 = arith.maximumf %max3A_91, %max3A_93 : vector<2000x32xf32>
    %min3A_100 = arith.minimumf %max3A_91, %max3A_93 : vector<2000x32xf32>
    %max3A_101 = arith.maximumf %min3A_92, %min3A_94 : vector<2000x32xf32>
    %min3A_102 = arith.minimumf %min3A_92, %min3A_94 : vector<2000x32xf32>
    %max3A_103 = arith.maximumf %max3A_95, %max3A_97 : vector<2000x32xf32>
    %min3A_104 = arith.minimumf %max3A_95, %max3A_97 : vector<2000x32xf32>
    %max3A_105 = arith.maximumf %min3A_96, %min3A_98 : vector<2000x32xf32>
    %min3A_106 = arith.minimumf %min3A_96, %min3A_98 : vector<2000x32xf32>
    %max3A_107 = arith.maximumf %max3A_47, %min3A_60 : vector<2000x32xf32>
    %min3A_108 = arith.minimumf %max3A_47, %min3A_60 : vector<2000x32xf32>
    %max3A_109 = arith.maximumf %max3A_51, %min3A_62 : vector<2000x32xf32>
    %min3A_110 = arith.minimumf %max3A_51, %min3A_62 : vector<2000x32xf32>
    %max3A_111 = arith.maximumf %min3A_52, %max3A_61 : vector<2000x32xf32>
    %min3A_112 = arith.minimumf %min3A_52, %max3A_61 : vector<2000x32xf32>
    %max3A_113 = arith.maximumf %min3A_50, %max3A_57 : vector<2000x32xf32>
    %min3A_114 = arith.minimumf %min3A_50, %max3A_57 : vector<2000x32xf32>
    %max3A_115 = arith.maximumf %max3A_107, %max3A_111 : vector<2000x32xf32>
    %min3A_116 = arith.minimumf %max3A_107, %max3A_111 : vector<2000x32xf32>
    %max3A_117 = arith.maximumf %max3A_109, %max3A_113 : vector<2000x32xf32>
    %min3A_118 = arith.minimumf %max3A_109, %max3A_113 : vector<2000x32xf32>
    %max3A_119 = arith.maximumf %min3A_108, %min3A_112 : vector<2000x32xf32>
    %min3A_120 = arith.minimumf %min3A_108, %min3A_112 : vector<2000x32xf32>
    %max3A_121 = arith.maximumf %min3A_110, %min3A_114 : vector<2000x32xf32>
    %min3A_122 = arith.minimumf %min3A_110, %min3A_114 : vector<2000x32xf32>
    %max3A_123 = arith.maximumf %max3A_115, %max3A_117 : vector<2000x32xf32>
    %min3A_124 = arith.minimumf %max3A_115, %max3A_117 : vector<2000x32xf32>
    %max3A_125 = arith.maximumf %min3A_116, %min3A_118 : vector<2000x32xf32>
    %min3A_126 = arith.minimumf %min3A_116, %min3A_118 : vector<2000x32xf32>
    %max3A_127 = arith.maximumf %max3A_119, %max3A_121 : vector<2000x32xf32>
    %min3A_128 = arith.minimumf %max3A_119, %max3A_121 : vector<2000x32xf32>
    %max3A_129 = arith.maximumf %min3A_120, %min3A_122 : vector<2000x32xf32>
    %min3A_130 = arith.minimumf %min3A_120, %min3A_122 : vector<2000x32xf32>
    %max3A_131 = arith.maximumf %max3A_67, %min3A_80 : vector<2000x32xf32>
    %min3A_132 = arith.minimumf %max3A_67, %min3A_80 : vector<2000x32xf32>
    %max3A_133 = arith.maximumf %max3A_71, %min3A_82 : vector<2000x32xf32>
    %min3A_134 = arith.minimumf %max3A_71, %min3A_82 : vector<2000x32xf32>
    %max3A_135 = arith.maximumf %min3A_72, %max3A_81 : vector<2000x32xf32>
    %min3A_136 = arith.minimumf %min3A_72, %max3A_81 : vector<2000x32xf32>
    %max3A_137 = arith.maximumf %min3A_70, %max3A_77 : vector<2000x32xf32>
    %min3A_138 = arith.minimumf %min3A_70, %max3A_77 : vector<2000x32xf32>
    %max3A_139 = arith.maximumf %max3A_131, %max3A_135 : vector<2000x32xf32>
    %min3A_140 = arith.minimumf %max3A_131, %max3A_135 : vector<2000x32xf32>
    %max3A_141 = arith.maximumf %max3A_133, %max3A_137 : vector<2000x32xf32>
    %min3A_142 = arith.minimumf %max3A_133, %max3A_137 : vector<2000x32xf32>
    %max3A_143 = arith.maximumf %min3A_132, %min3A_136 : vector<2000x32xf32>
    %min3A_144 = arith.minimumf %min3A_132, %min3A_136 : vector<2000x32xf32>
    %max3A_145 = arith.maximumf %min3A_134, %min3A_138 : vector<2000x32xf32>
    %min3A_146 = arith.minimumf %min3A_134, %min3A_138 : vector<2000x32xf32>
    %max3A_147 = arith.maximumf %max3A_139, %max3A_141 : vector<2000x32xf32>
    %min3A_148 = arith.minimumf %max3A_139, %max3A_141 : vector<2000x32xf32>
    %max3A_149 = arith.maximumf %min3A_140, %min3A_142 : vector<2000x32xf32>
    %min3A_150 = arith.minimumf %min3A_140, %min3A_142 : vector<2000x32xf32>
    %max3A_151 = arith.maximumf %max3A_143, %max3A_145 : vector<2000x32xf32>
    %min3A_152 = arith.minimumf %max3A_143, %max3A_145 : vector<2000x32xf32>
    %max3A_153 = arith.maximumf %min3A_144, %min3A_146 : vector<2000x32xf32>
    %min3A_154 = arith.minimumf %min3A_144, %min3A_146 : vector<2000x32xf32>
    %max3A_155 = arith.maximumf %max3A_99, %min3A_130 : vector<2000x32xf32>
    %max3A_156 = arith.maximumf %min3A_100, %max3A_129 : vector<2000x32xf32>
    %max3A_157 = arith.maximumf %max3A_101, %min3A_128 : vector<2000x32xf32>
    %max3A_158 = arith.maximumf %min3A_102, %max3A_127 : vector<2000x32xf32>
    %max3A_159 = arith.maximumf %max3A_103, %min3A_126 : vector<2000x32xf32>
    %max3A_160 = arith.maximumf %min3A_104, %max3A_125 : vector<2000x32xf32>
    %max3A_161 = arith.maximumf %max3A_105, %min3A_124 : vector<2000x32xf32>
    %max3A_162 = arith.maximumf %min3A_106, %max3A_123 : vector<2000x32xf32>
    %max3A_163 = arith.maximumf %max3A_155, %max3A_159 : vector<2000x32xf32>
    %min3A_164 = arith.minimumf %max3A_155, %max3A_159 : vector<2000x32xf32>
    %max3A_165 = arith.maximumf %max3A_156, %max3A_160 : vector<2000x32xf32>
    %min3A_166 = arith.minimumf %max3A_156, %max3A_160 : vector<2000x32xf32>
    %max3A_167 = arith.maximumf %max3A_157, %max3A_161 : vector<2000x32xf32>
    %min3A_168 = arith.minimumf %max3A_157, %max3A_161 : vector<2000x32xf32>
    %max3A_169 = arith.maximumf %max3A_158, %max3A_162 : vector<2000x32xf32>
    %min3A_170 = arith.minimumf %max3A_158, %max3A_162 : vector<2000x32xf32>
    %max3A_171 = arith.maximumf %max3A_163, %max3A_167 : vector<2000x32xf32>
    %min3A_172 = arith.minimumf %max3A_163, %max3A_167 : vector<2000x32xf32>
    %max3A_173 = arith.maximumf %max3A_165, %max3A_169 : vector<2000x32xf32>
    %min3A_174 = arith.minimumf %max3A_165, %max3A_169 : vector<2000x32xf32>
    %max3A_175 = arith.maximumf %min3A_164, %min3A_168 : vector<2000x32xf32>
    %min3A_176 = arith.minimumf %min3A_164, %min3A_168 : vector<2000x32xf32>
    %max3A_177 = arith.maximumf %min3A_166, %min3A_170 : vector<2000x32xf32>
    %min3A_178 = arith.minimumf %min3A_166, %min3A_170 : vector<2000x32xf32>
    %max3A_179 = arith.maximumf %max3A_171, %max3A_173 : vector<2000x32xf32>
    %min3A_180 = arith.minimumf %max3A_171, %max3A_173 : vector<2000x32xf32>
    %max3A_181 = arith.maximumf %min3A_172, %min3A_174 : vector<2000x32xf32>
    %min3A_182 = arith.minimumf %min3A_172, %min3A_174 : vector<2000x32xf32>
    %max3A_183 = arith.maximumf %max3A_175, %max3A_177 : vector<2000x32xf32>
    %min3A_184 = arith.minimumf %max3A_175, %max3A_177 : vector<2000x32xf32>
    %max3A_185 = arith.maximumf %min3A_176, %min3A_178 : vector<2000x32xf32>
    %min3A_186 = arith.minimumf %min3A_176, %min3A_178 : vector<2000x32xf32>
    %max3A_187 = arith.maximumf %max3A_179, %min3A_154 : vector<2000x32xf32>
    %max3A_188 = arith.maximumf %min3A_180, %max3A_153 : vector<2000x32xf32>
    %max3A_189 = arith.maximumf %max3A_181, %min3A_152 : vector<2000x32xf32>
    %max3A_190 = arith.maximumf %min3A_182, %max3A_151 : vector<2000x32xf32>
    %max3A_191 = arith.maximumf %max3A_183, %min3A_150 : vector<2000x32xf32>
    %max3A_192 = arith.maximumf %min3A_184, %max3A_149 : vector<2000x32xf32>
    %max3A_193 = arith.maximumf %max3A_185, %min3A_148 : vector<2000x32xf32>
    %max3A_194 = arith.maximumf %min3A_186, %max3A_147 : vector<2000x32xf32>
    %max3A_195 = arith.maximumf %max3A_187, %max3A_191 : vector<2000x32xf32>
    %min3A_196 = arith.minimumf %max3A_187, %max3A_191 : vector<2000x32xf32>
    %max3A_197 = arith.maximumf %max3A_188, %max3A_192 : vector<2000x32xf32>
    %min3A_198 = arith.minimumf %max3A_188, %max3A_192 : vector<2000x32xf32>
    %max3A_199 = arith.maximumf %max3A_189, %max3A_193 : vector<2000x32xf32>
    %min3A_200 = arith.minimumf %max3A_189, %max3A_193 : vector<2000x32xf32>
    %max3A_201 = arith.maximumf %max3A_190, %max3A_194 : vector<2000x32xf32>
    %min3A_202 = arith.minimumf %max3A_190, %max3A_194 : vector<2000x32xf32>
    %max3A_203 = arith.maximumf %max3A_195, %max3A_199 : vector<2000x32xf32>
    %min3A_204 = arith.minimumf %max3A_195, %max3A_199 : vector<2000x32xf32>
    %max3A_205 = arith.maximumf %max3A_197, %max3A_201 : vector<2000x32xf32>
    %min3A_206 = arith.minimumf %max3A_197, %max3A_201 : vector<2000x32xf32>
    %max3A_207 = arith.maximumf %min3A_196, %min3A_200 : vector<2000x32xf32>
    %min3A_208 = arith.minimumf %min3A_196, %min3A_200 : vector<2000x32xf32>
    %max3A_209 = arith.maximumf %min3A_198, %min3A_202 : vector<2000x32xf32>
    %min3A_210 = arith.minimumf %min3A_198, %min3A_202 : vector<2000x32xf32>
    %max3A_211 = arith.maximumf %max3A_203, %max3A_205 : vector<2000x32xf32>
    %min3A_212 = arith.minimumf %max3A_203, %max3A_205 : vector<2000x32xf32>
    %max3A_213 = arith.maximumf %min3A_204, %min3A_206 : vector<2000x32xf32>
    %min3A_214 = arith.minimumf %min3A_204, %min3A_206 : vector<2000x32xf32>
    %max3A_215 = arith.maximumf %max3A_207, %max3A_209 : vector<2000x32xf32>
    %min3A_216 = arith.minimumf %max3A_207, %max3A_209 : vector<2000x32xf32>
    %max3A_217 = arith.maximumf %min3A_208, %min3A_210 : vector<2000x32xf32>
    %min3A_218 = arith.minimumf %min3A_208, %min3A_210 : vector<2000x32xf32>
    %concatenate3A = tpu.concatenate %max3A_211, %min3A_212, %max3A_213, %min3A_214, %max3A_215, %min3A_216, %max3A_217, %min3A_218 in 1 : vector<2000x32xf32>, vector<2000x32xf32>, vector<2000x32xf32>, vector<2000x32xf32>, vector<2000x32xf32>, vector<2000x32xf32>, vector<2000x32xf32>, vector<2000x32xf32> -> vector<2000x256xf32>
    %swap3A = arith.constant 0 : index
    %swap3A_219 = arith.constant 0 : index
    %swap3A_220 = vector.load %arg2[%swap3A, %swap3A_219] : memref<2000x256xf32, #tpu.memory_space<vmem>>, vector<2000x256xf32>
    tpu.vector_store %arg2[%swap3A, %swap3A_219], %concatenate3A {strides = array<i32>} : memref<2000x256xf32, #tpu.memory_space<vmem>>, vector<2000x256xf32>,
    return
  }
  func.func @transform_0(%arg0: i32) -> (i32, i32) {
    %c0_i32 = arith.constant 0 : i32
    %c0_i32_0 = arith.constant 0 : i32
    return %arg0, %c0_i32 : i32, i32
  }
  func.func @transform_1(%arg0: i32) -> (i32, i32) {
    %c0_i32 = arith.constant 0 : i32
    %c0_i32_0 = arith.constant 0 : i32
    return %arg0, %c0_i32 : i32, i32
  }
}

module attributes {stable_mosaic.version = 14 : i64} {
  func.func @_emb_kernel(%arg0: memref<10000x128xf32, #tpu.memory_space<vmem>>, %arg1: memref<1x128xf32, #tpu.memory_space<vmem>>, %arg2: memref<1x128xf32, #tpu.memory_space<vmem>>, %arg3: memref<10000x128xf32, #tpu.memory_space<vmem>>) attributes {dimension_semantics = [], scalar_prefetch = 0 : i64, scratch_operands = 0 : i64, tpu.core_type = #tpu.core_type<tc>} {
    %get3A = arith.constant 0 : index
    %get3A_0 = arith.constant 0 : index
    %get3A_1 = vector.load %arg0[%get3A, %get3A_0] : memref<10000x128xf32, #tpu.memory_space<vmem>>, vector<10000x128xf32>
    %get3A_2 = arith.constant 0 : index
    %get3A_3 = arith.constant 0 : index
    %get3A_4 = vector.load %arg1[%get3A_2, %get3A_3] : memref<1x128xf32, #tpu.memory_space<vmem>>, vector<1x128xf32>
    %mul3A = vector.broadcast %get3A_4 : vector<1x128xf32> to vector<10000x128xf32>
    %mul3A_5 = arith.mulf %get3A_1, %mul3A : vector<10000x128xf32>
    %max3A = arith.constant 0.000000e+00 : f32
    %max3A_6 = vector.broadcast %max3A : f32 to vector<10000x128xf32>
    %max3A_7 = arith.maximumf %mul3A_5, %max3A_6 : vector<10000x128xf32>
    %get3A_8 = arith.constant 0 : index
    %get3A_9 = arith.constant 0 : index
    %get3A_10 = vector.load %arg2[%get3A_8, %get3A_9] : memref<1x128xf32, #tpu.memory_space<vmem>>, vector<1x128xf32>
    %mul3A_11 = vector.broadcast %get3A_10 : vector<1x128xf32> to vector<10000x128xf32>
    %mul3A_12 = arith.mulf %max3A_7, %mul3A_11 : vector<10000x128xf32>
    %mul3A_13 = arith.mulf %mul3A_12, %mul3A_12 : vector<10000x128xf32>
    %reduce_sum3A = arith.constant dense<0.000000e+00> : vector<10000xf32>
    %reduce_sum3A_14 = vector.multi_reduction <add>, %mul3A_13, %reduce_sum3A [1] : vector<10000x128xf32> to vector<10000xf32>
    %broadcast_in_dim3A = vector.shape_cast %reduce_sum3A_14 : vector<10000xf32> to vector<10000x1xf32>
    %sqrt3A = math.sqrt %broadcast_in_dim3A : vector<10000x1xf32>
    %max3A_15 = arith.constant 9.99999996E-13 : f32
    %max3A_16 = vector.broadcast %max3A_15 : f32 to vector<10000x1xf32>
    %max3A_17 = arith.maximumf %sqrt3A, %max3A_16 : vector<10000x1xf32>
    %div3A = vector.broadcast %max3A_17 : vector<10000x1xf32> to vector<10000x128xf32>
    %div3A_18 = arith.divf %mul3A_12, %div3A : vector<10000x128xf32>
    %swap3A = arith.constant 0 : index
    %swap3A_19 = arith.constant 0 : index
    %swap3A_20 = vector.load %arg3[%swap3A, %swap3A_19] : memref<10000x128xf32, #tpu.memory_space<vmem>>, vector<10000x128xf32>
    tpu.vector_store %arg3[%swap3A, %swap3A_19], %div3A_18 {strides = array<i32>} : memref<10000x128xf32, #tpu.memory_space<vmem>>, vector<10000x128xf32>,
    return
  }
}

module attributes {stable_mosaic.version = 14 : i64} {
  func.func @_mask_kernel(%arg0: i32, %arg1: memref<200x128xf32, #tpu.memory_space<vmem>>, %arg2: memref<10240x128xf32, #tpu.memory_space<vmem>>, %arg3: memref<200x16xf32, #tpu.memory_space<vmem>>, %arg4: memref<200x256xf32, #tpu.memory_space<vmem>>, %arg5: memref<200x10000xf32, #tpu.memory_space<vmem>>) attributes {dimension_semantics = [#tpu.dimension_semantics<parallel>], iteration_bounds = array<i64: 50>, scalar_prefetch = 0 : i64, scratch_operands = 0 : i64, tpu.core_type = #tpu.core_type<tc>, window_params = [{transform_indices = @transform_0, window_bounds = array<i64: 200, 128>}, {pipeline_mode = #tpu.pipeline_mode<synchronous>, transform_indices = @transform_1, window_bounds = array<i64: 10240, 128>}, {transform_indices = @transform_2, window_bounds = array<i64: 200, 16>}, {transform_indices = @transform_3, window_bounds = array<i64: 200, 256>}, {transform_indices = @transform_4, window_bounds = array<i64: 200, 10000>}]} {
    %get3A = arith.constant 0 : index
    %get3A_0 = arith.constant 0 : index
    %get3A_1 = vector.load %arg1[%get3A, %get3A_0] : memref<200x128xf32, #tpu.memory_space<vmem>>, vector<200x128xf32>
    %get3A_2 = arith.constant 0 : index
    %get3A_3 = arith.constant 0 : index
    %get3A_4 = vector.load %arg2[%get3A_2, %get3A_3] : memref<10240x128xf32, #tpu.memory_space<vmem>>, vector<10240x128xf32>
    %dot_general3A = arith.constant dense<0.000000e+00> : vector<200x10240xf32>
    %dot_general3A_5 = tpu.matmul %get3A_1, %get3A_4, %dot_general3A {dimension_numbers = #tpu.dot_dimension_numbers<[1], [1], [0], [0], [0, 0, 1, 0], [], []>, transpose_lhs_hint = false} : vector<200x128xf32>, vector<10240x128xf32>, vector<200x10240xf32> -> vector<200x10240xf32>
    %get3A_6 = arith.constant 0 : index
    %get3A_7 = arith.constant 0 : index
    %get3A_8 = vector.load %arg3[%get3A_6, %get3A_7] : memref<200x16xf32, #tpu.memory_space<vmem>>, vector<200x16xf32>
    %slice3A = vector.extract_strided_slice %get3A_8 {offsets = [0, 14], sizes = [200, 1], strides = [1, 1]} : vector<200x16xf32> to vector<200x1xf32>
    %get3A_9 = arith.constant 0 : index
    %get3A_10 = arith.constant 0 : index
    %get3A_11 = vector.load %arg4[%get3A_9, %get3A_10] : memref<200x256xf32, #tpu.memory_space<vmem>>, vector<200x256xf32>
    %ge3A = vector.broadcast %slice3A : vector<200x1xf32> to vector<200x256xf32>
    %ge3A_12 = arith.cmpf oge, %get3A_11, %ge3A : vector<200x256xf32>
    %jit3A = arith.constant 1.000000e+00 : f32
    %jit3A_13 = arith.constant 0.000000e+00 : f32
    %broadcast_in_dim3A = vector.broadcast %jit3A : f32 to vector<200x256xf32>
    %broadcast_in_dim3A_14 = vector.broadcast %jit3A_13 : f32 to vector<200x256xf32>
    %select_n3A = arith.select %ge3A_12, %broadcast_in_dim3A, %broadcast_in_dim3A_14 : vector<200x256xi1>, vector<200x256xf32>
    %reduce_sum3A = arith.constant dense<0.000000e+00> : vector<200xf32>
    %reduce_sum3A_15 = vector.multi_reduction <add>, %select_n3A, %reduce_sum3A [1] : vector<200x256xf32> to vector<200xf32>
    %broadcast_in_dim3A_16 = vector.shape_cast %reduce_sum3A_15 : vector<200xf32> to vector<200x1xf32>
    %ge3A_17 = vector.broadcast %slice3A : vector<200x1xf32> to vector<200x10240xf32>
    %ge3A_18 = arith.cmpf oge, %dot_general3A_5, %ge3A_17 : vector<200x10240xf32>
    %slice3A_19 = vector.extract_strided_slice %ge3A_18 {offsets = [0, 0], sizes = [200, 10000], strides = [1, 1]} : vector<200x10240xi1> to vector<200x10000xi1>
    %slice3A_20 = vector.extract_strided_slice %dot_general3A_5 {offsets = [0, 0], sizes = [200, 10000], strides = [1, 1]} : vector<200x10240xf32> to vector<200x10000xf32>
    %max3A = arith.constant 0.000000e+00 : f32
    %max3A_21 = vector.broadcast %max3A : f32 to vector<200x10000xf32>
    %max3A_22 = arith.maximumf %slice3A_20, %max3A_21 : vector<200x10000xf32>
    %jit3A_23 = arith.constant 0.000000e+00 : f32
    %broadcast_in_dim3A_24 = vector.broadcast %jit3A_23 : f32 to vector<200x10000xf32>
    %select_n3A_25 = arith.select %slice3A_19, %max3A_22, %broadcast_in_dim3A_24 : vector<200x10000xi1>, vector<200x10000xf32>
    %swap3A = arith.constant 0 : index
    %swap3A_26 = arith.constant 0 : index
    %swap3A_27 = vector.load %arg5[%swap3A, %swap3A_26] : memref<200x10000xf32, #tpu.memory_space<vmem>>, vector<200x10000xf32>
    tpu.vector_store %arg5[%swap3A, %swap3A_26], %select_n3A_25 {strides = array<i32>} : memref<200x10000xf32, #tpu.memory_space<vmem>>, vector<200x10000xf32>,
    %jit3A_28 = arith.constant 1.000000e+00 : f32
    %jit3A_29 = arith.constant 0.000000e+00 : f32
    %broadcast_in_dim3A_30 = vector.broadcast %jit3A_28 : f32 to vector<200x10240xf32>
    %broadcast_in_dim3A_31 = vector.broadcast %jit3A_29 : f32 to vector<200x10240xf32>
    %select_n3A_32 = arith.select %ge3A_18, %broadcast_in_dim3A_30, %broadcast_in_dim3A_31 : vector<200x10240xi1>, vector<200x10240xf32>
    %reduce_sum3A_33 = arith.constant dense<0.000000e+00> : vector<200xf32>
    %reduce_sum3A_34 = vector.multi_reduction <add>, %select_n3A_32, %reduce_sum3A_33 [1] : vector<200x10240xf32> to vector<200xf32>
    %broadcast_in_dim3A_35 = vector.shape_cast %reduce_sum3A_34 : vector<200xf32> to vector<200x1xf32>
    %sub3A = arith.subf %broadcast_in_dim3A_35, %broadcast_in_dim3A_16 : vector<200x1xf32>
    %abs3A = math.absf %sub3A : vector<200x1xf32>
    %reduce_max3A = vector.shape_cast %abs3A : vector<200x1xf32> to vector<1x200x1xf32>
    %reduce_max3A_36 = arith.constant dense<0xFF800000> : vector<1xf32>
    %reduce_max3A_37 = vector.multi_reduction <maximumf>, %reduce_max3A, %reduce_max3A_36 [1, 2] : vector<1x200x1xf32> to vector<1xf32>
    %reduce_max3A_38 = vector.shape_cast %reduce_max3A_37 : vector<1xf32> to vector<1x1x1xf32>
    %reduce_max3A_39 = vector.extract %reduce_max3A_38[0, 0, 0] : f32 from vector<1x1x1xf32>
    %gt3A = arith.constant 5.000000e-01 : f32
    %gt3A_40 = arith.cmpf ogt, %reduce_max3A_39, %gt3A : f32
    %convert_element_type3A = arith.extui %gt3A_40 : i1 to i32
    %cond3A = arith.constant 0 : i32
    %cond3A_41 = arith.cmpi ne, %convert_element_type3A, %cond3A : i32
    scf.if %cond3A_41 {
      %broadcast_in_dim3A_42 = arith.constant 3.000000e+38 : f32
      %broadcast_in_dim3A_43 = vector.broadcast %broadcast_in_dim3A_42 : f32 to vector<200x1xf32>
      %scan3A = arith.constant 0 : i32
      %scan3A_44 = arith.constant 31 : i32
      %scan3A_45 = arith.addi %scan3A, %scan3A_44 : i32
      %scan3A_46 = arith.constant 1 : i32
      %scan3A_47 = scf.for %scan3A_61 = %scan3A to %scan3A_45 step %scan3A_46 iter_args(%scan3A_62 = %broadcast_in_dim3A_43) -> (vector<200x1xf32>)  : i32 {
        %lt3A = vector.broadcast %scan3A_62 : vector<200x1xf32> to vector<200x10240xf32>
        %lt3A_63 = arith.cmpf olt, %dot_general3A_5, %lt3A : vector<200x10240xf32>
        %jit3A_64 = arith.constant -3.000000e+38 : f32
        %broadcast_in_dim3A_65 = vector.broadcast %jit3A_64 : f32 to vector<200x10240xf32>
        %select_n3A_66 = arith.select %lt3A_63, %dot_general3A_5, %broadcast_in_dim3A_65 : vector<200x10240xi1>, vector<200x10240xf32>
        %reduce_max3A_67 = arith.constant dense<0xFF800000> : vector<200xf32>
        %reduce_max3A_68 = vector.multi_reduction <maximumf>, %select_n3A_66, %reduce_max3A_67 [1] : vector<200x10240xf32> to vector<200xf32>
        %broadcast_in_dim3A_69 = vector.shape_cast %reduce_max3A_68 : vector<200xf32> to vector<200x1xf32>
        scf.yield %broadcast_in_dim3A_69 : vector<200x1xf32>
      }
      %ge3A_48 = vector.broadcast %scan3A_47 : vector<200x1xf32> to vector<200x10240xf32>
      %ge3A_49 = arith.cmpf oge, %dot_general3A_5, %ge3A_48 : vector<200x10240xf32>
      %slice3A_50 = vector.extract_strided_slice %ge3A_49 {offsets = [0, 0], sizes = [200, 10000], strides = [1, 1]} : vector<200x10240xi1> to vector<200x10000xi1>
      %slice3A_51 = vector.extract_strided_slice %dot_general3A_5 {offsets = [0, 0], sizes = [200, 10000], strides = [1, 1]} : vector<200x10240xf32> to vector<200x10000xf32>
      %max3A_52 = arith.constant 0.000000e+00 : f32
      %max3A_53 = vector.broadcast %max3A_52 : f32 to vector<200x10000xf32>
      %max3A_54 = arith.maximumf %slice3A_51, %max3A_53 : vector<200x10000xf32>
      %jit3A_55 = arith.constant 0.000000e+00 : f32
      %broadcast_in_dim3A_56 = vector.broadcast %jit3A_55 : f32 to vector<200x10000xf32>
      %select_n3A_57 = arith.select %slice3A_50, %max3A_54, %broadcast_in_dim3A_56 : vector<200x10000xi1>, vector<200x10000xf32>
      %swap3A_58 = arith.constant 0 : index
      %swap3A_59 = arith.constant 0 : index
      %swap3A_60 = vector.load %arg5[%swap3A_58, %swap3A_59] : memref<200x10000xf32, #tpu.memory_space<vmem>>, vector<200x10000xf32>
      tpu.vector_store %arg5[%swap3A_58, %swap3A_59], %select_n3A_57 {strides = array<i32>} : memref<200x10000xf32, #tpu.memory_space<vmem>>, vector<200x10000xf32>,
    } else {
    }
    return
  }
  func.func @transform_0(%arg0: i32) -> (i32, i32) {
    %c0_i32 = arith.constant 0 : i32
    %c0_i32_0 = arith.constant 0 : i32
    return %arg0, %c0_i32 : i32, i32
  }
  func.func @transform_1(%arg0: i32) -> (i32, i32) {
    %c0_i32 = arith.constant 0 : i32
    %c0_i32_0 = arith.constant 0 : i32
    %c0_i32_1 = arith.constant 0 : i32
    return %c0_i32, %c0_i32_0 : i32, i32
  }
  func.func @transform_2(%arg0: i32) -> (i32, i32) {
    %c0_i32 = arith.constant 0 : i32
    %c0_i32_0 = arith.constant 0 : i32
    return %arg0, %c0_i32 : i32, i32
  }
  func.func @transform_3(%arg0: i32) -> (i32, i32) {
    %c0_i32 = arith.constant 0 : i32
    %c0_i32_0 = arith.constant 0 : i32
    return %arg0, %c0_i32 : i32, i32
  }
  func.func @transform_4(%arg0: i32) -> (i32, i32) {
    %c0_i32 = arith.constant 0 : i32
    %c0_i32_0 = arith.constant 0 : i32
    return %arg0, %c0_i32 : i32, i32
  }
}

</mosaic_0001>

<sc_bundles>
// kernel: kernel.7.cloned.1.call-start
scs
__scs_entry_jumppad:
0x0: {  	(pc) =	sbr.rel $0x88, $3  }
0x1: {  	(tag) =	ssettag $0x0;
	lr =	simm.s32 $0x1  }
0x2: {  	[smem:$0x3F9E] =	sst lr;
	_ =	strace $0xD0000000  }
0x3: {  	_ = 	snop  }
0x4: {  	_ = 	snop  }
0x5: {  	_ = 	snop  }
0x6: {  	_ = 	snop  }
0x7: {  	_ = 	snop  }
__scs_overlays_trampoline_lowered:
0x8: {  	[smem:$0x3FAD] =	sst s0  }
0x9: {  	[smem:$0x3FAE] =	sst s1  }
0xa: {  	[smem:$0x3FAF] =	sst s2  }
0xb: {  	[smem:$0x3FB0] =	sst s3  }
0xc: {  	[smem:$0x3FB1] =	sst s4  }
0xd: {  	[smem:$0x3FB2] =	sst s5  }
0xe: {  	[smem:$0x3FB3] =	sst s6  }
0xf: {  	[smem:$0x3FB4] =	sst s7  }
0x10: {  	[smem:$0x3FB5] =	sst s8  }
0x11: {  	[smem:$0x3FB6] =	sst s9;
	s0 =	simm.s32 @!p0 $0x0  }
0x12: {  	s1 =	sld [smem:$0x3F9C];
	s0 =	simm.s32 @p0 $0x1  }
0x13: {  	[smem:$0x3FB7] =	sst s0;
	s0 =	simm.s32 @!p1 $0x0  }
0x14: {  	s2 =	sld [smem:$0x3F9B];
	s0 =	simm.s32 @p1 $0x1  }
0x15: {  	[smem:$0x3FB8] =	sst s0;
	s0 =	simm.s32 @!p2 $0x0  }
0x16: {  	s3 =	sld [smem:$0x3FDB];
	s0 =	simm.s32 @p2 $0x1  }
0x17: {  	s4 =	simm.s32 $0x1BF5;
	[smem:$0x3FBA] =	sst s0  }
0x18: {  	s0 =	sld [smem:$0x3F9D];
	_ =	swait.ge [sflag:s4], $0x0  }
0x19: {  	s7 =	sld [smem:$0x3F9E]  }
0x1a: {  	s8 =	sadd.s32 $0xFFFFE003, lr  }
0x1b: {  	s9 =	sadd.s32 $0xFFFFFEF7, lr;
	s5 =	simm.s32 $0xFFFFFFFF;
	p2 =	slt.u32 s8, $0xFFFFF086  }
0x1c: {  	p1 =	slt.u32 s9, $0xF7A;
	s5 =	simm.s32 @!p2 $0x0  }
0x1d: {  	s5 =	simm.s32 @p1 $0x1;
	p0 =	seq.s32 s7, s2  }
0x1e: {  	s7 =	smul.u32 @!p0 $0xF7A, s2;
	p2 =	seq.s32 @!p0 s5, $0x0  }
0x1f: {  	s9 =	smul.u32 $0xF7A, s1;
	s8 =	simm.s32 @!p0 $0x1BF5;
	p2 =	por !p2, p0  }
0x20: {  	[sflag:s8] =	ssyncset.s32 @!p0 $0xFFFFF086;
	s6 =	sadd.s32 @!p0 s3, s7;
	s7 =	simm.s32 @!p0 $0x108  }
0x21: {  	s3 =	sadd.s32 s3, s9;
	s6 =	sadd.s32 @!p0 $0x88, s6;
	s7 =	simm.s32 @p2 $0x1082  }
0x22: {  	[simem:s7], [sflag:s8] =	dma.local @!p0 [hbm:s6], $0xF7A  }
0x23: {  	s9 =	sor.u32 $0xD0000000, s2;
	s6 =	simm.s32 $0x108;
	_ =	swait.ge @!p0 [sflag:s8], $0x0  }
0x24: {  	s3 =	sadd.s32 $0x88, s3;
	s6 =	simm.s32 @!p1 $0x1082;
	[sflag:s4] =	ssyncset.s32 $0xFFFFF086  }
0x25: {  	[simem:s6], [sflag:s4] =	dma.local [hbm:s3], $0xF7A  }
0x26: {  	[smem:$0x3F9E] =	sst s1;
	(tag) =	ssettag s2;
	_ =	strace s9  }
0x27: {  	s1 =	sld [smem:$0x3FAE]  }
0x28: {  	s2 =	sld [smem:$0x3FAF]  }
0x29: {  	s4 =	sld [smem:$0x3FB1]  }
0x2a: {  	p0 =	seq.s32 s5, $0x0;
	s5 =	sld [smem:$0x3FB2]  }
0x2b: {  	s6 =	sld [smem:$0x3FB3]  }
0x2c: {  	s7 =	sld [smem:$0x3FB4]  }
0x2d: {  	s3 =	simm.s32 $0x108;
	s8 =	sld [smem:$0x3FB5]  }
0x2e: {  	s3 =	simm.s32 @!p0 $0x1082;
	s9 =	sld [smem:$0x3FB6]  }
0x2f: {  	lr =	sadd.s32 s0, s3;
	s0 =	sld [smem:$0x3FAD]  }
0x30: {  	s3 =	sld [smem:$0x3FB0]  }
0x31: {  	[smem:$0x3FB9] =	sst s10  }
0x32: {  	s10 =	sld [smem:$0x3FB7];
	_ =	sdelay $0x3  }
0x33: {  	p0 =	seq.s32 s10, $0x1;
	s10 =	sld [smem:$0x3FB9];
	_ =	sdelay $0x3  }
0x34: {  	[smem:$0x3FB9] =	sst s10  }
0x35: {  	s10 =	sld [smem:$0x3FB8];
	_ =	sdelay $0x3  }
0x36: {  	p1 =	seq.s32 s10, $0x1;
	s10 =	sld [smem:$0x3FB9];
	_ =	sdelay $0x3  }
0x37: {  	[smem:$0x3FB9] =	sst s10  }
0x38: {  	s10 =	sld [smem:$0x3FBA]  }
0x39: {  	_ = 	snop;
	(pc) =	sbr.ind lr, $3  }
0x3a: {  	_ = 	snop  }
0x3b: {  	_ = 	snop  }
0x3c: {  	p2 =	seq.s32 s10, $0x1;
	s10 =	sld [smem:$0x3FB9]  }
0x3d: {  	_ =	shalt  }
0x3e: {  	_ =	shalt  }
0x3f: {  	_ =	shalt  }
0x40: {  	_ =	shalt  }
0x41: {  	_ =	shalt  }
0x42: {  	_ =	shalt  }
0x43: {  	_ =	shalt  }
0x44: {  	_ =	shalt  }
0x45: {  	_ =	shalt  }
0x46: {  	_ =	shalt  }
0x47: {  	_ =	shalt  }
0x48: {  	_ =	shalt  }
0x49: {  	_ =	shalt  }
0x4a: {  	_ =	shalt  }
0x4b: {  	_ =	shalt  }
0x4c: {  	_ =	shalt  }
0x4d: {  	_ =	shalt  }
0x4e: {  	_ =	shalt  }
0x4f: {  	_ =	shalt  }
0x50: {  	_ =	shalt  }
0x51: {  	_ =	shalt  }
0x52: {  	_ =	shalt  }
0x53: {  	_ =	shalt  }
0x54: {  	_ =	shalt  }
0x55: {  	_ =	shalt  }
0x56: {  	_ =	shalt  }
0x57: {  	_ =	shalt  }
0x58: {  	_ =	shalt  }
0x59: {  	_ =	shalt  }
0x5a: {  	_ =	shalt  }
0x5b: {  	_ =	shalt  }
0x5c: {  	_ =	shalt  }
0x5d: {  	_ =	shalt  }
0x5e: {  	_ =	shalt  }
0x5f: {  	_ =	shalt  }
0x60: {  	_ =	shalt  }
0x61: {  	_ =	shalt  }
0x62: {  	_ =	shalt  }
0x63: {  	_ =	shalt  }
0x64: {  	_ =	shalt  }
0x65: {  	_ =	shalt  }
0x66: {  	_ =	shalt  }
0x67: {  	_ =	shalt  }
0x68: {  	_ =	shalt  }
0x69: {  	_ =	shalt  }
0x6a: {  	_ =	shalt  }
0x6b: {  	_ =	shalt  }
0x6c: {  	_ =	shalt  }
0x6d: {  	_ =	shalt  }
0x6e: {  	_ =	shalt  }
0x6f: {  	_ =	shalt  }
0x70: {  	_ =	shalt  }
0x71: {  	_ =	shalt  }
0x72: {  	_ =	shalt  }
0x73: {  	_ =	shalt  }
0x74: {  	_ =	shalt  }
0x75: {  	_ =	shalt  }
0x76: {  	_ =	shalt  }
0x77: {  	_ =	shalt  }
0x78: {  	_ =	shalt  }
0x79: {  	_ =	shalt  }
0x7a: {  	_ =	shalt  }
0x7b: {  	_ =	shalt  }
0x7c: {  	_ =	shalt  }
0x7d: {  	_ =	shalt  }
0x7e: {  	_ =	shalt  }
0x7f: {  	_ =	shalt  }
0x80: {  	_ =	shalt  }
0x81: {  	_ =	shalt  }
0x82: {  	_ =	shalt  }
0x83: {  	_ =	shalt  }
0x84: {  	_ =	shalt  }
0x85: {  	_ =	shalt  }
0x86: {  	_ =	shalt  }
0x87: {  	_ =	shalt  }
.Lfunc_end0:
.L_simem_size_0:
called_computation_lowered:
.L_overlay_start_0:
0x88: {  	s2 =	sld [smem:$0x3FD9]  }
0x89: {  	s3 =	sld [smem:$0x3FFE];
	_ =	sdelay $0x1  }
0x8a: {  	s1 =	srdreg.scid  }
0x8b: {  	s0 =	sand.u32 $0x1, s1  }
0x8c: {  	s17 =	sshll.u32 s0, $0xA;
	s2 =	sadd.s32 s3, s2  }
0x8d: {  	s2 =	sadd.s32 s2, s17  }
0x8e: {  	[smem:$0x3FC5] =	sst s2  }
0x8f: {  	_ = 	snop  }
0x90: {  	s2 =	sld [smem:$0x3FD0];
	(tm) =	ssettm $0x1  }
0x91: {  	s18 =	sld [smem:$0x3FFB];
	_ =	sdelay $0x3  }
0x92: {  	_ =	strace s18  }
0x93: {  	s3 =	sld [smem:$0x3FFC];
	_ =	sdelay $0x3  }
0x94: {  	_ =	strace s3  }
0x95: {  	s3 =	sld [smem:$0x3FFD];
	_ =	sdelay $0x3  }
0x96: {  	_ =	strace s3  }
0x97: {  	_ =	strace $0x8FFFFFFF  }
0x98: {  	s19 =	sld [smem:$0x3FDB];
	_ =	sdelay $0x1  }
0x99: {  	s4 =	simm.s32 $_scs_section_size  }
0x9a: {  	s5 =	simm.s32 $_size__tile_overlayer_lowered;
	s6 =	simm.s32 $_tile_overlayer_lowered  }
0x9b: {  	s22 =	simm.s32 $0x1BFF;
	s21 =	sshll.u32 s6, $0x1;
	s3 =	sadd.s32 s4, s19  }
0x9c: {  	s7 =	simm.s32 $0x0;
	s20 =	sshll.u32 s5, $0x1;
	s5 =	sadd.s32 s21, s3  }
0x9d: {  	[timem:s7], [sflag:s22] =	dma.local [hbm:s5], s20  }
0x9e: {  	_ =	swait.ge [sflag:s22], s20  }
0x9f: {  	s4 =	ssub.s32 $0x0, s20;
	[sflag:s22] =	ssyncset.done $0x0  }
0xa0: {  	[sflag:s22] =	ssyncadd.s32 s4;
	_ =	sdelay $0x1  }
0xa1: {  	s23 =	simm.s32 $0x1B8B  }
0xa2: {  	_ =	swait.ge [sflag:s23], $0x1  }
0xa3: {  	[sflag:s23] =	ssyncset.done $0x0  }
0xa4: {  	s25 =	simm.s32 $0x1B8E;
	s24 =	sld [smem:$0x3FFE];
	[sflag:s23] =	ssyncadd.s32 $0xFFFFFFFF  }
0xa5: {  	s26 =	simm.s32 $execute0_lowered;
	[smem:$0x3FD2] =	sst s25  }
0xa6: {  	s5 =	sshll.u32 s26, $0x1;
	_ =	strace $0x80000046;
	[dreg:$0x1] =	wrdreg $0xFFFFFFFF  }
0xa7: {  	s28 =	simm.s32 $_size_execute0_lowered;
	s3 =	sadd.s32 s3, s5;
	[dreg:$0x0] =	wrdreg $0x0  }
0xa8: {  	s5 =	sshll.u32 s28, $0x1;
	[dreg:$0x2] =	wrdreg s3  }
0xa9: {  	[dreg:$0x3] =	wrdreg s5  }
0xaa: {  	[dreg:$0x4] =	wrdreg $0xC0  }
0xab: {  	_ =	task [dreg:s7], $0x5FFFF  }
0xac: {  	[dreg:$0x1] =	wrdreg $0xFFFFFFFF  }
0xad: {  	[dreg:$0x0] =	wrdreg $0x60  }
0xae: {  	[dreg:$0x2] =	wrdreg s2  }
0xaf: {  	[dreg:$0x3] =	wrdreg s24  }
0xb0: {  	[dreg:$0x4] =	wrdreg $0x9  }
0xb1: {  	_ =	task.clear_ibuf [dreg:s7], $0x5FFFF;
	_ =	strace $0x90000046  }
0xb2: {  	s29 =	simm.s32 $0x9;
	_ =	strace $0x80000048  }
0xb3: {  	_ =	swait.ge [sflag:s29], $0x1  }
0xb4: {  	[sflag:s29] =	ssyncadd.s32 $0xFFFFFFFF  }
0xb5: {  	_ =	strace $0x90000048  }
0xb6: {  	_ =	sfence  }
0xb7: {  	s30 =	sld [smem:$0x0];
	_ =	sdelay $0x2  }
0xb8: {  	s31 =	sshll.u32 s1, $0xD;
	s1 =	sshrl.u32 s1, $0x2  }
0xb9: {  	s3 =	sand.u32 $0x4000, s31;
	s1 =	sadd.s32 s1, s30  }
0xba: {  	s0 =	sor.u32 s3, s0;
	s1 =	sshll.u32 s1, $0x11  }
0xbb: {  	s0 =	sor.u32 s1, s0  }
0xbc: {  	s0 =	sadd.s32 $0x8F2B, s0  }
0xbd: {  	[sflag:s0] =	ssyncadd.remote.s32 $0x1  }
0xbe: {  	_ =	sfence.sel $0xFFFF  }
0xbf: {  	[dreg:$0x0] =	wrdreg $0xFFFFFFFF;
	(pc) =	sbr.abs _section_cstart, $3  }
0xc0: {  	[dreg:$0x1] =	wrdreg $0xFFFFFFFF  }
0xc1: {  	_ =	task.clear_ibuf [dreg:s7], $0x2FFFF;
	_ =	strace $0x9FFFFFFF  }
0xc2: {  	(tm) =	ssettm $0x7FFFFFFF  }
0xc3: {  	_ =	shalt  }
tec
execute0_lowered:
.L_overlay_start_1:
0x0: {  	(tag) =	ssettag $0x1  }
0x1: {  	s1 =	srdreg.scid  }
0x2: {  	s0 =	stileid.u32;
	s3 =	rddreg [dreg:$0x0]  }
0x3: {  	s5 =	rddreg [dreg:$0x1];
	s4 =	sand.u32 $0x1, s1;
	s30 =	sshll.u32 s0, $0x1  }
0x4: {  	s2 =	simm.s32 $0x0;
	s9 =	simm.s32 $0x0;
	s6 =	sor.u32 s4, s30  }
0x5: {  	s1 =	rddreg [dreg:$0x2];
	s4 =	ssub.s32 $0x2, s4;
	s7 =	smul.u32 $0x280, s6  }
0x6: {  	v0 =	vlaneseq.u32;
	[smem:$0x7FF] =	sst s2;
	s6 =	smul.u32 $0x2800, s6;
	s8 =	sshrl.u32 s4, $0x1  }
0x7: {  	v0 =	vmul.u32 $0xFFFFFFFF, v0;
	_ =	strace $0x80000047;
	s31 =	ssub.s32 s4, s8;
	s8 =	simm.s32 $0x2  }
0x8: {  	s5 =	sadd.s32 s7, s5;
	s3 =	sadd.s32 s3, s6;
	s6 =	simm.s32 $0x1  }
0x9: {  	v0 =	vadd.s32 $0xF, v0;
	s7 =	simm.s32 $0x14000;
	s4 =	sadd.s32 $0x4EE00, s5;
	s5 =	smax.u32 s31, $0x1  }
.LBB2_1:
0xa: {  	[tilespmem:s2], [sflag:$0x1] =	stream.linear.gather [hbm4b:s3+s2], $0x14000, $0x38;
	[tilespmem:$0x15400] =	vst v63  }
0xb: {  	_ =	swait.ge [sflag:s6], $0x14000  }
0xc: {  	[sflag:s6] =	ssyncset.done $0x0  }
0xd: {  	s11 =	simm.s32 $0x80;
	[sflag:s6] =	ssyncadd.s32 $0xFFFEC000  }
0xe: {  	v1 =	vld [tilespmem:s11+$0xFFFFFF90]  }
0xf: {  	s12 =	simm.s32 $0x40;
	s10 =	simm.s32 $0x0  }
.LBB2_2:
0x10: {  	p0 =	sne.s32 s12, $0x4FC0;
	v2 =	vld [tilespmem:s11+$0xFFFFFF80];
	_ =	sdelay $0x2  }
0x11: {  	(xrf1) =	vsort.dscd.msk.f32 $0xffff, v1, v1;
	_ =	sdelay $0x1  }
0x12: {  	(xrf1) =	vsort.dscd.msk.f32 $0xffff, v2, v2;
	_ =	sdelay $0x8  }
0x13: {  	v1 =	vld [tilespmem:s11+$0xFFFFFFA0];
	_ =	sdelay $0x2  }
0x14: {  	v2, _, _ =	vpop (xrf1)  }
0x15: {  	v2 =	vperm.xlane v2, v0  }
0x16: {  	v3, _, _ =	vpop (xrf1);
	(xrf1) =	vsort.dscd.msk.f32 $0xffff, v1, v1  }
0x17: {  	v1 =	vmax.f32 v3, v2  }
0x18: {  	(xrf1) =	vsort.dscd.msk.f32 $0xffff, v1, v1;
	_ =	sdelay $0x8  }
0x19: {  	v1 =	vld [tilespmem:s11+$0xFFFFFFB0];
	_ =	sdelay $0x2  }
0x1a: {  	v4, _, _ =	vpop (xrf1)  }
0x1b: {  	v4 =	vperm.xlane v4, v0  }
0x1c: {  	v5, _, _ =	vpop (xrf1);
	(xrf1) =	vsort.dscd.msk.f32 $0xffff, v1, v1  }
0x1d: {  	v1 =	vmax.f32 v5, v4  }
0x1e: {  	v4 =	vmin.f32 v5, v4;
	(xrf1) =	vsort.dscd.msk.f32 $0xffff, v1, v1  }
0x1f: {  	(xrf1) =	vsort.dscd.msk.f32 $0xffff, v4, v4  }
0x20: {  	v1 =	vmin.f32 v3, v2  }
0x21: {  	(xrf1) =	vsort.dscd.msk.f32 $0xffff, v1, v1;
	_ =	sdelay $0x5  }
0x22: {  	v1 =	vld [tilespmem:s11+$0xFFFFFFC0];
	_ =	sdelay $0x2  }
0x23: {  	v2, _, _ =	vpop (xrf1)  }
0x24: {  	v2 =	vperm.xlane v2, v0  }
0x25: {  	v3, _, _ =	vpop (xrf1);
	(xrf1) =	vsort.dscd.msk.f32 $0xffff, v1, v1  }
0x26: {  	v5 =	vmax.f32 v3, v2;
	v4, _, _ =	vpop (xrf1)  }
0x27: {  	v2 =	vmin.f32 v3, v2;
	v4 =	vperm.xlane v4, v0;
	(xrf1) =	vsort.dscd.msk.f32 $0xffff, v5, v5  }
0x28: {  	v1, _, _ =	vpop (xrf1);
	(xrf1) =	vsort.dscd.msk.f32 $0xffff, v2, v2  }
0x29: {  	v1 =	vmax.f32 v1, v4  }
0x2a: {  	(xrf1) =	vsort.dscd.msk.f32 $0xffff, v1, v1;
	_ =	sdelay $0x5  }
0x2b: {  	v1 =	vld [tilespmem:s11+$0xFFFFFFD0];
	_ =	sdelay $0x2  }
0x2c: {  	v2, _, _ =	vpop (xrf1)  }
0x2d: {  	v2 =	vperm.xlane v2, v0  }
0x2e: {  	v3, _, _ =	vpop (xrf1);
	(xrf1) =	vsort.dscd.msk.f32 $0xffff, v1, v1  }
0x2f: {  	v5 =	vmax.f32 v3, v2;
	v4, _, _ =	vpop (xrf1)  }
0x30: {  	v2 =	vmin.f32 v3, v2;
	v4 =	vperm.xlane v4, v0;
	(xrf1) =	vsort.dscd.msk.f32 $0xffff, v5, v5  }
0x31: {  	v1, _, _ =	vpop (xrf1);
	(xrf1) =	vsort.dscd.msk.f32 $0xffff, v2, v2  }
0x32: {  	v1 =	vmax.f32 v1, v4  }
0x33: {  	(xrf1) =	vsort.dscd.msk.f32 $0xffff, v1, v1;
	_ =	sdelay $0x5  }
0x34: {  	v1 =	vld [tilespmem:s11+$0xFFFFFFE0];
	_ =	sdelay $0x2  }
0x35: {  	v2, _, _ =	vpop (xrf1)  }
0x36: {  	v2 =	vperm.xlane v2, v0  }
0x37: {  	v3, _, _ =	vpop (xrf1);
	(xrf1) =	vsort.dscd.msk.f32 $0xffff, v1, v1  }
0x38: {  	v5 =	vmax.f32 v3, v2;
	v4, _, _ =	vpop (xrf1)  }
0x39: {  	v2 =	vmin.f32 v3, v2;
	v4 =	vperm.xlane v4, v0;
	(xrf1) =	vsort.dscd.msk.f32 $0xffff, v5, v5  }
0x3a: {  	v1, _, _ =	vpop (xrf1);
	(xrf1) =	vsort.dscd.msk.f32 $0xffff, v2, v2  }
0x3b: {  	v1 =	vmax.f32 v1, v4  }
0x3c: {  	(xrf1) =	vsort.dscd.msk.f32 $0xffff, v1, v1;
	_ =	sdelay $0x5  }
0x3d: {  	v1 =	vld [tilespmem:s11+$0xFFFFFFF0];
	_ =	sdelay $0x2  }
0x3e: {  	v2, _, _ =	vpop (xrf1)  }
0x3f: {  	v2 =	vperm.xlane v2, v0  }
0x40: {  	v3, _, _ =	vpop (xrf1);
	(xrf1) =	vsort.dscd.msk.f32 $0xffff, v1, v1  }
0x41: {  	v5 =	vmax.f32 v3, v2;
	v4, _, _ =	vpop (xrf1)  }
0x42: {  	v2 =	vmin.f32 v3, v2;
	v4 =	vperm.xlane v4, v0;
	(xrf1) =	vsort.dscd.msk.f32 $0xffff, v5, v5  }
0x43: {  	v1, _, _ =	vpop (xrf1);
	(xrf1) =	vsort.dscd.msk.f32 $0xffff, v2, v2  }
0x44: {  	v1 =	vmax.f32 v1, v4  }
0x45: {  	(xrf1) =	vsort.dscd.msk.f32 $0xffff, v1, v1;
	_ =	sdelay $0x5  }
0x46: {  	v1 =	vld [tilespmem:s11+$0x0];
	_ =	sdelay $0x2  }
0x47: {  	v2, _, _ =	vpop (xrf1)  }
0x48: {  	v2 =	vperm.xlane v2, v0  }
0x49: {  	v3, _, _ =	vpop (xrf1);
	(xrf1) =	vsort.dscd.msk.f32 $0xffff, v1, v1  }
0x4a: {  	v5 =	vmax.f32 v3, v2;
	v4, _, _ =	vpop (xrf1)  }
0x4b: {  	v2 =	vmin.f32 v3, v2;
	v4 =	vperm.xlane v4, v0;
	(xrf1) =	vsort.dscd.msk.f32 $0xffff, v5, v5  }
0x4c: {  	v1, _, _ =	vpop (xrf1);
	(xrf1) =	vsort.dscd.msk.f32 $0xffff, v2, v2  }
0x4d: {  	v1 =	vmax.f32 v1, v4  }
0x4e: {  	(xrf1) =	vsort.dscd.msk.f32 $0xffff, v1, v1;
	_ =	sdelay $0x5  }
0x4f: {  	v1 =	vld [tilespmem:s11+$0x10];
	_ =	sdelay $0x2  }
0x50: {  	v2, _, _ =	vpop (xrf1)  }
0x51: {  	v2 =	vperm.xlane v2, v0  }
0x52: {  	v3, _, _ =	vpop (xrf1);
	(xrf1) =	vsort.dscd.msk.f32 $0xffff, v1, v1  }
0x53: {  	v5 =	vmax.f32 v3, v2;
	v4, _, _ =	vpop (xrf1)  }
0x54: {  	v2 =	vmin.f32 v3, v2;
	v4 =	vperm.xlane v4, v0;
	(xrf1) =	vsort.dscd.msk.f32 $0xffff, v5, v5  }
0x55: {  	v1, _, _ =	vpop (xrf1);
	(xrf1) =	vsort.dscd.msk.f32 $0xffff, v2, v2  }
0x56: {  	v1 =	vmax.f32 v1, v4  }
0x57: {  	(xrf1) =	vsort.dscd.msk.f32 $0xffff, v1, v1;
	_ =	sdelay $0x5  }
0x58: {  	v1 =	vld [tilespmem:s11+$0x20];
	_ =	sdelay $0x2  }
0x59: {  	v2, _, _ =	vpop (xrf1)  }
0x5a: {  	v2 =	vperm.xlane v2, v0  }
0x5b: {  	v3, _, _ =	vpop (xrf1);
	(xrf1) =	vsort.dscd.msk.f32 $0xffff, v1, v1  }
0x5c: {  	v5 =	vmax.f32 v3, v2;
	v4, _, _ =	vpop (xrf1)  }
0x5d: {  	v2 =	vmin.f32 v3, v2;
	v4 =	vperm.xlane v4, v0;
	(xrf1) =	vsort.dscd.msk.f32 $0xffff, v5, v5  }
0x5e: {  	v1, _, _ =	vpop (xrf1);
	(xrf1) =	vsort.dscd.msk.f32 $0xffff, v2, v2  }
0x5f: {  	v1 =	vmax.f32 v1, v4  }
0x60: {  	(xrf1) =	vsort.dscd.msk.f32 $0xffff, v1, v1;
	_ =	sdelay $0x5  }
0x61: {  	v1 =	vld [tilespmem:s11+$0x30];
	_ =	sdelay $0x2  }
0x62: {  	v2, _, _ =	vpop (xrf1)  }
0x63: {  	v2 =	vperm.xlane v2, v0  }
0x64: {  	v3, _, _ =	vpop (xrf1);
	(xrf1) =	vsort.dscd.msk.f32 $0xffff, v1, v1  }
0x65: {  	v5 =	vmax.f32 v3, v2;
	v4, _, _ =	vpop (xrf1)  }
0x66: {  	v2 =	vmin.f32 v3, v2;
	v4 =	vperm.xlane v4, v0;
	(xrf1) =	vsort.dscd.msk.f32 $0xffff, v5, v5  }
0x67: {  	v1, _, _ =	vpop (xrf1);
	(xrf1) =	vsort.dscd.msk.f32 $0xffff, v2, v2  }
0x68: {  	v1 =	vmax.f32 v1, v4  }
0x69: {  	(xrf1) =	vsort.dscd.msk.f32 $0xffff, v1, v1;
	_ =	sdelay $0x5  }
0x6a: {  	v1 =	vld [tilespmem:s11+$0x40];
	_ =	sdelay $0x2  }
0x6b: {  	v2, _, _ =	vpop (xrf1)  }
0x6c: {  	v2 =	vperm.xlane v2, v0  }
0x6d: {  	v3, _, _ =	vpop (xrf1);
	(xrf1) =	vsort.dscd.msk.f32 $0xffff, v1, v1  }
0x6e: {  	v5 =	vmax.f32 v3, v2;
	v4, _, _ =	vpop (xrf1)  }
0x6f: {  	v2 =	vmin.f32 v3, v2;
	v4 =	vperm.xlane v4, v0;
	(xrf1) =	vsort.dscd.msk.f32 $0xffff, v5, v5  }
0x70: {  	v1, _, _ =	vpop (xrf1);
	(xrf1) =	vsort.dscd.msk.f32 $0xffff, v2, v2  }
0x71: {  	v1 =	vmax.f32 v1, v4  }
0x72: {  	(xrf1) =	vsort.dscd.msk.f32 $0xffff, v1, v1;
	_ =	sdelay $0x5  }
0x73: {  	v1 =	vld [tilespmem:s11+$0x50];
	_ =	sdelay $0x2  }
0x74: {  	v2, _, _ =	vpop (xrf1)  }
0x75: {  	v2 =	vperm.xlane v2, v0  }
0x76: {  	v3, _, _ =	vpop (xrf1);
	(xrf1) =	vsort.dscd.msk.f32 $0xffff, v1, v1  }
0x77: {  	v5 =	vmax.f32 v3, v2;
	v4, _, _ =	vpop (xrf1)  }
0x78: {  	v2 =	vmin.f32 v3, v2;
	v4 =	vperm.xlane v4, v0;
	(xrf1) =	vsort.dscd.msk.f32 $0xffff, v5, v5  }
0x79: {  	v1, _, _ =	vpop (xrf1);
	(xrf1) =	vsort.dscd.msk.f32 $0xffff, v2, v2  }
0x7a: {  	v1 =	vmax.f32 v1, v4  }
0x7b: {  	(xrf1) =	vsort.dscd.msk.f32 $0xffff, v1, v1;
	_ =	sdelay $0x5  }
0x7c: {  	v1 =	vld [tilespmem:s11+$0x60];
	_ =	sdelay $0x2  }
0x7d: {  	v2, _, _ =	vpop (xrf1)  }
0x7e: {  	v2 =	vperm.xlane v2, v0  }
0x7f: {  	v3, _, _ =	vpop (xrf1);
	(xrf1) =	vsort.dscd.msk.f32 $0xffff, v1, v1  }
0x80: {  	v5 =	vmax.f32 v3, v2;
	v4, _, _ =	vpop (xrf1)  }
0x81: {  	v2 =	vmin.f32 v3, v2;
	v4 =	vperm.xlane v4, v0;
	(xrf1) =	vsort.dscd.msk.f32 $0xffff, v5, v5  }
0x82: {  	v1, _, _ =	vpop (xrf1);
	(xrf1) =	vsort.dscd.msk.f32 $0xffff, v2, v2  }
0x83: {  	v1 =	vmax.f32 v1, v4  }
0x84: {  	(xrf1) =	vsort.dscd.msk.f32 $0xffff, v1, v1;
	_ =	sdelay $0x6  }
0x85: {  	v1 =	vld [tilespmem:s11+$0x70];
	_ =	sdelay $0x1  }
0x86: {  	v2, _, _ =	vpop (xrf1)  }
0x87: {  	v2 =	vperm.xlane v2, v0  }
0x88: {  	v3, _, _ =	vpop (xrf1)  }
0x89: {  	v4 =	vmax.f32 v3, v2;
	v5, _, _ =	vpop (xrf1);
	(xrf1) =	vsort.dscd.msk.f32 $0xffff, v1, v1  }
0x8a: {  	v2 =	vmin.f32 v3, v2;
	v1 =	vperm.xlane v5, v0;
	(xrf1) =	vsort.dscd.msk.f32 $0xffff, v4, v4  }
0x8b: {  	v3, _, _ =	vpop (xrf1);
	(xrf1) =	vsort.dscd.msk.f32 $0xffff, v2, v2  }
0x8c: {  	v1 =	vmax.f32 v3, v1  }
0x8d: {  	(xrf1) =	vsort.dscd.msk.f32 $0xffff, v1, v1;
	_ =	sdelay $0x9  }
0x8e: {  	v1, _, _ =	vpop (xrf1)  }
0x8f: {  	v1 =	vperm.xlane v1, v0;
	v2, _, _ =	vpop (xrf1)  }
0x90: {  	v3, _, _ =	vpop (xrf1)  }
0x91: {  	v3 =	vperm.xlane v3, v0;
	v1 =	vmin.f32 v2, v1  }
0x92: {  	v2, _, _ =	vpop (xrf1);
	(xrf1) =	vsort.dscd.msk.f32 $0xffff, v1, v1  }
0x93: {  	v1 =	vmax.f32 v2, v3  }
0x94: {  	(xrf1) =	vsort.dscd.msk.f32 $0xffff, v1, v1;
	_ =	sdelay $0xb  }
0x95: {  	v1, _, _ =	vpop (xrf1)  }
0x96: {  	v1 =	vperm.xlane v1, v0  }
0x97: {  	v2, _, _ =	vpop (xrf1)  }
0x98: {  	v1 =	vmax.f32 v2, v1  }
0x99: {  	(xrf1) =	vsort.dscd.msk.f32 $0xffff, v1, v1;
	_ =	sdelay $0xc  }
.Ltmp0:
0x9a: {  	(pc) =	sbr.rel @p0 .LBB2_2-.Ltmp0, $4  }
0x9b: {  	s13 =	sshra.s32 s10, $0x2;
	s10 =	smov.u32 s12;
	v1, _, _ =	vpop (xrf1)  }
0x9c: {  	s11 =	sadd.s32 $0x100, s11;
	[tilespmem:s13+$0x14000] =	vst v1  }
0x9d: {  	v1 =	vld [tilespmem:s11+$0xFFFFFF90]  }
0x9e: {  	s12 =	sadd.s32 $0x40, s12  }
0x9f: {  	v2 =	vld [tilespmem:s11+$0xFFFFFF80];
	_ =	sdelay $0x2  }
0xa0: {  	(xrf1) =	vsort.dscd.msk.f32 $0xffff, v1, v1;
	_ =	sdelay $0x1  }
0xa1: {  	(xrf1) =	vsort.dscd.msk.f32 $0xffff, v2, v2;
	_ =	sdelay $0x8  }
0xa2: {  	v1 =	vld [tilespmem:s11+$0xFFFFFFA0];
	_ =	sdelay $0x2  }
0xa3: {  	v2, _, _ =	vpop (xrf1)  }
0xa4: {  	v2 =	vperm.xlane v2, v0  }
0xa5: {  	(xrf1) =	vsort.dscd.msk.f32 $0xffff, v1, v1;
	v3, _, _ =	vpop (xrf1)  }
0xa6: {  	v1 =	vmax.f32 v3, v2  }
0xa7: {  	(xrf1) =	vsort.dscd.msk.f32 $0xffff, v1, v1;
	_ =	sdelay $0x8  }
0xa8: {  	v1 =	vld [tilespmem:s11+$0xFFFFFFB0];
	_ =	sdelay $0x2  }
0xa9: {  	v4, _, _ =	vpop (xrf1)  }
0xaa: {  	v4 =	vperm.xlane v4, v0  }
0xab: {  	(xrf1) =	vsort.dscd.msk.f32 $0xffff, v1, v1;
	v5, _, _ =	vpop (xrf1)  }
0xac: {  	v1 =	vmax.f32 v5, v4  }
0xad: {  	(xrf1) =	vsort.dscd.msk.f32 $0xffff, v1, v1  }
0xae: {  	v4 =	vmin.f32 v5, v4  }
0xaf: {  	(xrf1) =	vsort.dscd.msk.f32 $0xffff, v4, v4  }
0xb0: {  	v1 =	vmin.f32 v3, v2  }
0xb1: {  	(xrf1) =	vsort.dscd.msk.f32 $0xffff, v1, v1;
	_ =	sdelay $0x4  }
0xb2: {  	v1 =	vld [tilespmem:s11+$0xFFFFFFC0];
	_ =	sdelay $0x2  }
0xb3: {  	v2, _, _ =	vpop (xrf1)  }
0xb4: {  	v2 =	vperm.xlane v2, v0  }
0xb5: {  	(xrf1) =	vsort.dscd.msk.f32 $0xffff, v1, v1;
	v3, _, _ =	vpop (xrf1)  }
0xb6: {  	v1 =	vmax.f32 v3, v2  }
0xb7: {  	v4, _, _ =	vpop (xrf1);
	(xrf1) =	vsort.dscd.msk.f32 $0xffff, v1, v1  }
0xb8: {  	v2 =	vmin.f32 v3, v2;
	v4 =	vperm.xlane v4, v0  }
0xb9: {  	(xrf1) =	vsort.dscd.msk.f32 $0xffff, v2, v2;
	v1, _, _ =	vpop (xrf1)  }
0xba: {  	v1 =	vmax.f32 v1, v4  }
0xbb: {  	(xrf1) =	vsort.dscd.msk.f32 $0xffff, v1, v1;
	_ =	sdelay $0x4  }
0xbc: {  	v1 =	vld [tilespmem:s11+$0xFFFFFFD0];
	_ =	sdelay $0x2  }
0xbd: {  	v2, _, _ =	vpop (xrf1)  }
0xbe: {  	v2 =	vperm.xlane v2, v0  }
0xbf: {  	(xrf1) =	vsort.dscd.msk.f32 $0xffff, v1, v1;
	v3, _, _ =	vpop (xrf1)  }
0xc0: {  	v1 =	vmax.f32 v3, v2  }
0xc1: {  	v52, _, _ =	vpop (xrf1);
	(xrf1) =	vsort.dscd.msk.f32 $0xffff, v1, v1  }
0xc2: {  	v2 =	vmin.f32 v3, v2;
	v4 =	vperm.xlane v52, v0  }
0xc3: {  	(xrf1) =	vsort.dscd.msk.f32 $0xffff, v2, v2;
	v1, _, _ =	vpop (xrf1)  }
0xc4: {  	v1 =	vmax.f32 v1, v4  }
0xc5: {  	(xrf1) =	vsort.dscd.msk.f32 $0xffff, v1, v1;
	_ =	sdelay $0x4  }
0xc6: {  	v1 =	vld [tilespmem:s11+$0xFFFFFFE0];
	_ =	sdelay $0x2  }
0xc7: {  	v2, _, _ =	vpop (xrf1)  }
0xc8: {  	v2 =	vperm.xlane v2, v0  }
0xc9: {  	(xrf1) =	vsort.dscd.msk.f32 $0xffff, v1, v1;
	v3, _, _ =	vpop (xrf1)  }
0xca: {  	v1 =	vmax.f32 v3, v2  }
0xcb: {  	v53, _, _ =	vpop (xrf1);
	(xrf1) =	vsort.dscd.msk.f32 $0xffff, v1, v1  }
0xcc: {  	v2 =	vmin.f32 v3, v2;
	v4 =	vperm.xlane v53, v0  }
0xcd: {  	(xrf1) =	vsort.dscd.msk.f32 $0xffff, v2, v2;
	v1, _, _ =	vpop (xrf1)  }
0xce: {  	v1 =	vmax.f32 v1, v4  }
0xcf: {  	(xrf1) =	vsort.dscd.msk.f32 $0xffff, v1, v1;
	_ =	sdelay $0x4  }
0xd0: {  	v1 =	vld [tilespmem:s11+$0xFFFFFFF0];
	_ =	sdelay $0x2  }
0xd1: {  	v2, _, _ =	vpop (xrf1)  }
0xd2: {  	v2 =	vperm.xlane v2, v0  }
0xd3: {  	(xrf1) =	vsort.dscd.msk.f32 $0xffff, v1, v1;
	v3, _, _ =	vpop (xrf1)  }
0xd4: {  	v1 =	vmax.f32 v3, v2  }
0xd5: {  	v54, _, _ =	vpop (xrf1);
	(xrf1) =	vsort.dscd.msk.f32 $0xffff, v1, v1  }
0xd6: {  	v2 =	vmin.f32 v3, v2;
	v4 =	vperm.xlane v54, v0  }
0xd7: {  	(xrf1) =	vsort.dscd.msk.f32 $0xffff, v2, v2;
	v1, _, _ =	vpop (xrf1)  }
0xd8: {  	v1 =	vmax.f32 v1, v4  }
0xd9: {  	(xrf1) =	vsort.dscd.msk.f32 $0xffff, v1, v1;
	_ =	sdelay $0x4  }
0xda: {  	v1 =	vld [tilespmem:s11+$0x0];
	_ =	sdelay $0x2  }
0xdb: {  	v2, _, _ =	vpop (xrf1)  }
0xdc: {  	v2 =	vperm.xlane v2, v0  }
0xdd: {  	(xrf1) =	vsort.dscd.msk.f32 $0xffff, v1, v1;
	v3, _, _ =	vpop (xrf1)  }
0xde: {  	v1 =	vmax.f32 v3, v2  }
0xdf: {  	v55, _, _ =	vpop (xrf1);
	(xrf1) =	vsort.dscd.msk.f32 $0xffff, v1, v1  }
0xe0: {  	v2 =	vmin.f32 v3, v2;
	v4 =	vperm.xlane v55, v0  }
0xe1: {  	(xrf1) =	vsort.dscd.msk.f32 $0xffff, v2, v2;
	v1, _, _ =	vpop (xrf1)  }
0xe2: {  	v1 =	vmax.f32 v1, v4  }
0xe3: {  	(xrf1) =	vsort.dscd.msk.f32 $0xffff, v1, v1;
	_ =	sdelay $0x4  }
0xe4: {  	v1 =	vld [tilespmem:s11+$0x10];
	_ =	sdelay $0x2  }
0xe5: {  	v2, _, _ =	vpop (xrf1)  }
0xe6: {  	v2 =	vperm.xlane v2, v0  }
0xe7: {  	(xrf1) =	vsort.dscd.msk.f32 $0xffff, v1, v1;
	v3, _, _ =	vpop (xrf1)  }
0xe8: {  	v1 =	vmax.f32 v3, v2  }
0xe9: {  	v56, _, _ =	vpop (xrf1);
	(xrf1) =	vsort.dscd.msk.f32 $0xffff, v1, v1  }
0xea: {  	v2 =	vmin.f32 v3, v2;
	v4 =	vperm.xlane v56, v0  }
0xeb: {  	(xrf1) =	vsort.dscd.msk.f32 $0xffff, v2, v2;
	v1, _, _ =	vpop (xrf1)  }
0xec: {  	v1 =	vmax.f32 v1, v4  }
0xed: {  	(xrf1) =	vsort.dscd.msk.f32 $0xffff, v1, v1;
	_ =	sdelay $0x4  }
0xee: {  	v1 =	vld [tilespmem:s11+$0x20];
	_ =	sdelay $0x2  }
0xef: {  	v2, _, _ =	vpop (xrf1)  }
0xf0: {  	v2 =	vperm.xlane v2, v0  }
0xf1: {  	(xrf1) =	vsort.dscd.msk.f32 $0xffff, v1, v1;
	v3, _, _ =	vpop (xrf1)  }
0xf2: {  	v1 =	vmax.f32 v3, v2  }
0xf3: {  	v57, _, _ =	vpop (xrf1);
	(xrf1) =	vsort.dscd.msk.f32 $0xffff, v1, v1  }
0xf4: {  	v2 =	vmin.f32 v3, v2;
	v4 =	vperm.xlane v57, v0  }
0xf5: {  	(xrf1) =	vsort.dscd.msk.f32 $0xffff, v2, v2;
	v1, _, _ =	vpop (xrf1)  }
0xf6: {  	v1 =	vmax.f32 v1, v4  }
0xf7: {  	(xrf1) =	vsort.dscd.msk.f32 $0xffff, v1, v1;
	_ =	sdelay $0x4  }
0xf8: {  	v1 =	vld [tilespmem:s11+$0x30];
	_ =	sdelay $0x2  }
0xf9: {  	v2, _, _ =	vpop (xrf1)  }
0xfa: {  	v2 =	vperm.xlane v2, v0  }
0xfb: {  	(xrf1) =	vsort.dscd.msk.f32 $0xffff, v1, v1;
	v3, _, _ =	vpop (xrf1)  }
0xfc: {  	v1 =	vmax.f32 v3, v2  }
0xfd: {  	v58, _, _ =	vpop (xrf1);
	(xrf1) =	vsort.dscd.msk.f32 $0xffff, v1, v1  }
0xfe: {  	v2 =	vmin.f32 v3, v2;
	v4 =	vperm.xlane v58, v0  }
0xff: {  	(xrf1) =	vsort.dscd.msk.f32 $0xffff, v2, v2;
	v1, _, _ =	vpop (xrf1)  }
0x100: {  	v1 =	vmax.f32 v1, v4  }
0x101: {  	(xrf1) =	vsort.dscd.msk.f32 $0xffff, v1, v1;
	_ =	sdelay $0x4  }
0x102: {  	v1 =	vld [tilespmem:s11+$0x40];
	_ =	sdelay $0x2  }
0x103: {  	v2, _, _ =	vpop (xrf1)  }
0x104: {  	v2 =	vperm.xlane v2, v0  }
0x105: {  	(xrf1) =	vsort.dscd.msk.f32 $0xffff, v1, v1;
	v3, _, _ =	vpop (xrf1)  }
0x106: {  	v1 =	vmax.f32 v3, v2  }
0x107: {  	v59, _, _ =	vpop (xrf1);
	(xrf1) =	vsort.dscd.msk.f32 $0xffff, v1, v1  }
0x108: {  	v2 =	vmin.f32 v3, v2;
	v4 =	vperm.xlane v59, v0  }
0x109: {  	(xrf1) =	vsort.dscd.msk.f32 $0xffff, v2, v2;
	v1, _, _ =	vpop (xrf1)  }
0x10a: {  	v1 =	vmax.f32 v1, v4  }
0x10b: {  	(xrf1) =	vsort.dscd.msk.f32 $0xffff, v1, v1;
	_ =	sdelay $0x4  }
0x10c: {  	v1 =	vld [tilespmem:s11+$0x50];
	_ =	sdelay $0x2  }
0x10d: {  	v2, _, _ =	vpop (xrf1)  }
0x10e: {  	v2 =	vperm.xlane v2, v0  }
0x10f: {  	(xrf1) =	vsort.dscd.msk.f32 $0xffff, v1, v1;
	v3, _, _ =	vpop (xrf1)  }
0x110: {  	v1 =	vmax.f32 v3, v2  }
0x111: {  	v60, _, _ =	vpop (xrf1);
	(xrf1) =	vsort.dscd.msk.f32 $0xffff, v1, v1  }
0x112: {  	v2 =	vmin.f32 v3, v2;
	v4 =	vperm.xlane v60, v0  }
0x113: {  	(xrf1) =	vsort.dscd.msk.f32 $0xffff, v2, v2;
	v1, _, _ =	vpop (xrf1)  }
0x114: {  	v1 =	vmax.f32 v1, v4  }
0x115: {  	(xrf1) =	vsort.dscd.msk.f32 $0xffff, v1, v1;
	_ =	sdelay $0x5  }
0x116: {  	v1 =	vld [tilespmem:s11+$0x60];
	_ =	sdelay $0x1  }
0x117: {  	v2, _, _ =	vpop (xrf1)  }
0x118: {  	v2 =	vperm.xlane v2, v0  }
0x119: {  	v3, _, _ =	vpop (xrf1)  }
0x11a: {  	(xrf1) =	vsort.dscd.msk.f32 $0xffff, v1, v1;
	v1 =	vmax.f32 v3, v2  }
0x11b: {  	v61, _, _ =	vpop (xrf1)  }
0x11c: {  	v2 =	vmin.f32 v3, v2;
	v4 =	vperm.xlane v61, v0;
	(xrf1) =	vsort.dscd.msk.f32 $0xffff, v1, v1  }
0x11d: {  	(xrf1) =	vsort.dscd.msk.f32 $0xffff, v2, v2;
	v1, _, _ =	vpop (xrf1)  }
0x11e: {  	v1 =	vmax.f32 v1, v4  }
0x11f: {  	(xrf1) =	vsort.dscd.msk.f32 $0xffff, v1, v1;
	_ =	sdelay $0x6  }
0x120: {  	v1 =	vld [tilespmem:s11+$0x70];
	_ =	sdelay $0x1  }
0x121: {  	v2, _, _ =	vpop (xrf1)  }
0x122: {  	v2 =	vperm.xlane v2, v0  }
0x123: {  	v3, _, _ =	vpop (xrf1)  }
0x124: {  	(xrf1) =	vsort.dscd.msk.f32 $0xffff, v1, v1;
	v62 =	vmax.f32 v3, v2;
	v63, _, _ =	vpop (xrf1)  }
0x125: {  	v2 =	vmin.f32 v3, v2;
	v1 =	vperm.xlane v63, v0;
	(xrf1) =	vsort.dscd.msk.f32 $0xffff, v62, v62  }
0x126: {  	(xrf1) =	vsort.dscd.msk.f32 $0xffff, v2, v2;
	v3, _, _ =	vpop (xrf1)  }
0x127: {  	v1 =	vmax.f32 v3, v1  }
0x128: {  	(xrf1) =	vsort.dscd.msk.f32 $0xffff, v1, v1;
	_ =	sdelay $0x9  }
0x129: {  	v1, _, _ =	vpop (xrf1)  }
0x12a: {  	v1 =	vperm.xlane v1, v0;
	v2, _, _ =	vpop (xrf1)  }
0x12b: {  	v3, _, _ =	vpop (xrf1)  }
0x12c: {  	v1 =	vmin.f32 v2, v1;
	v3 =	vperm.xlane v3, v0  }
0x12d: {  	(xrf1) =	vsort.dscd.msk.f32 $0xffff, v1, v1;
	v2, _, _ =	vpop (xrf1)  }
0x12e: {  	v1 =	vmax.f32 v2, v3  }
0x12f: {  	(xrf1) =	vsort.dscd.msk.f32 $0xffff, v1, v1;
	_ =	sdelay $0xb  }
0x130: {  	v1, _, _ =	vpop (xrf1)  }
0x131: {  	v1 =	vperm.xlane v1, v0  }
0x132: {  	v2, _, _ =	vpop (xrf1)  }
0x133: {  	v1 =	vmax.f32 v2, v1  }
0x134: {  	(xrf1) =	vsort.dscd.msk.f32 $0xffff, v1, v1;
	_ =	sdelay $0xc  }
0x135: {  	s9 =	sadd.s32 $0x1, s9  }
0x136: {  	s10 =	sshra.s32 s10, $0x2;
	p0 =	sne.s32 s9, s5;
	v1, _, _ =	vpop (xrf1)  }
.Ltmp1:
0x137: {  	[tilespmem:s10+$0x14000] =	vst v1;
	(pc) =	sbr.rel @p0 .LBB2_1-.Ltmp1, $4  }
0x138: {  	[hbm4b:s4+s2] =	stream.linear.scatter [tilespmem:s7], [sflag:$0x2], $0x1400, $0x38;
	[tilespmem:$0x15400] =	vst v63  }
0x139: {  	_ =	swait.ge [sflag:s8], $0x1400  }
0x13a: {  	[sflag:s8] =	ssyncset.done $0x0  }
0x13b: {  	[sflag:s8] =	ssyncadd.s32 $0xFFFFEC00  }
0x13c: {  	_ =	sfence.sel $0x180000  }
0x13d: {  	[bflag:$0x0] =	sbarrier.arrive $0xFFFF  }
0x13e: {  	p0 =	sne.s32 s0, $0x0;
	_ =	strace $0x90000047  }
0x13f: {  	s0 =	sadd.s32 @!p0 $0x100000, s1;
	[bflag:$0x2] =	sbarrier.arrive $0xFFFF  }
0x140: {  	[sflag:s0] =	ssyncadd.tile.s32 @!p0 $0x1;
	_ =	shalt  }
.Lfunc_end2:
_tile_overlayer_lowered:
.L_overlay_start_2:
0x141: {  	(tag) =	ssettag $0x2  }
0x142: {  	s0 =	rddreg [dreg:$0x0];
	s2 =	stileid.u32  }
0x143: {  	s1 =	rddreg [dreg:$0x1];
	p0 =	sne.s32 s2, $0x0  }
0x144: {  	s3 =	rddreg [dreg:$0x2];
	[bflag:$0x3] =	sbarrier.arrive $0xFFFF;
	s2 =	simm.s32 @!p0 $0x1C02  }
0x145: {  	[timem:s3], [sflag:s2] =	dma.local @!p0 [hbm:s0], s1  }
0x146: {  	s0 =	simm.s32 @!p0 $0x2  }
0x147: {  	_ =	swait.ge @!p0 [sflag:s0], s1  }
0x148: {  	s1 =	ssub.s32 @!p0 $0x0, s1;
	[sflag:s0] =	ssyncset.done @!p0 $0x0  }
0x149: {  	[sflag:s0] =	ssyncadd.s32 @!p0 s1  }
0x14a: {  	[bflag:$0x3] =	sbarrier.arrive $0xFFFF  }
0x14b: {  	_ =	shalt  }

</sc_bundles>
